<compile_context>
chip_gen: v7x
topology: tpu7x:2x2x1
jax: 0.10.2.dev20260603
libtpu: 0.0.44.dev20260713+nightly
codegen_flags: <defaults>
</compile_context>

<pallas_src>
import functools

import jax
import jax.numpy as jnp
from jax import lax
from jax.experimental import pallas as pl
from jax.experimental.pallas import tpu as pltpu
from jax.experimental.pallas import tpu_sc as plsc

_N = 10000
_E = 160000
_CS = 128
_CL = 64
_CZ = 64
_DEF = 107

_NW = 32
_CH = 128
_NB = 4
_EPW = 5120
_E_PAD = _EPW * _NW
_CPW = _EPW // _CH
_GROUPS = _CPW // _NB

_PRE_NB = 2000
_BE = 2000

_ROW_BYTES = _CH * _CZ * 4


def _precompute_body(n_ref, l_ref, wns_ref, wls_ref, wnd_ref, wld_ref, b1_ref,
                     ps_ref, pd_ref):
    n = n_ref[...]
    lt = l_ref[...]
    ps_ref[...] = (
        jnp.dot(n, wns_ref[...], preferred_element_type=jnp.float32)
        + jnp.dot(lt, wls_ref[...], preferred_element_type=jnp.float32)
        + b1_ref[...]
    )
    pd_ref[...] = (
        jnp.dot(n, wnd_ref[...], preferred_element_type=jnp.float32)
        + jnp.dot(lt, wld_ref[...], preferred_element_type=jnp.float32)
    )


def _precompute(node, latent, wns, wls, wnd, wld, b1):
    grid = _N // _PRE_NB
    return pl.pallas_call(
        _precompute_body,
        grid=(grid,),
        in_specs=[
            pl.BlockSpec((_PRE_NB, _CS), lambda i: (i, 0)),
            pl.BlockSpec((_PRE_NB, _CL), lambda i: (i, 0)),
            pl.BlockSpec((_CS, _CZ), lambda i: (0, 0)),
            pl.BlockSpec((_CL, _CZ), lambda i: (0, 0)),
            pl.BlockSpec((_CS, _CZ), lambda i: (0, 0)),
            pl.BlockSpec((_CL, _CZ), lambda i: (0, 0)),
            pl.BlockSpec((1, _CZ), lambda i: (0, 0)),
        ],
        out_specs=[
            pl.BlockSpec((_PRE_NB, _CZ), lambda i: (i, 0)),
            pl.BlockSpec((_PRE_NB, _CZ), lambda i: (i, 0)),
        ],
        out_shape=[
            jax.ShapeDtypeStruct((_N, _CZ), jnp.float32),
            jax.ShapeDtypeStruct((_N, _CZ), jnp.float32),
        ],
    )(node, latent, wns, wls, wnd, wld, b1.reshape(1, _CZ))


def _make_gather():
    mesh = plsc.VectorSubcoreMesh(core_axis_name="c", subcore_axis_name="s")

    @functools.partial(
        pl.kernel,
        mesh=mesh,
        out_type=jax.ShapeDtypeStruct((_E, 2 * _CZ), jnp.float32),
        scratch_types=[
            pltpu.VMEM((_CPW, _CH), jnp.int32),
            pltpu.VMEM((_CPW, _CH), jnp.int32),
            pltpu.VMEM((_NB, _CH, _CZ), jnp.float32),
            pltpu.VMEM((_NB, _CH, _CZ), jnp.float32),
            [pltpu.SemaphoreType.DMA] * _NB,
            pltpu.SemaphoreType.DMA,
        ],
        compiler_params=pltpu.CompilerParams(use_tc_tiling_on_sc=False),
    )
    def gather_kernel(psrc_hbm, pdst_hbm, src_hbm, dst_hbm, gb_hbm,
                      idx_s, idx_d, rows_s, rows_d, gsems, wsem):
        wid = lax.axis_index("s") * 2 + lax.axis_index("c")
        ebase = wid * _EPW
        cbase = wid * _CPW
        pltpu.sync_copy(src_hbm.at[pl.ds(cbase, _CPW)], idx_s)
        pltpu.sync_copy(dst_hbm.at[pl.ds(cbase, _CPW)], idx_d)

        def chunk_off(t):
            return ebase + t * _CH

        def fire_gathers(t, b):
            pltpu.async_copy(
                psrc_hbm.at[idx_s.at[t]], rows_s.at[b],
                gsems[b])
            pltpu.async_copy(
                pdst_hbm.at[idx_d.at[t]], rows_d.at[b],
                gsems[b])

        def wait_gathers(t, b):
            pltpu.make_async_copy(
                psrc_hbm.at[idx_s.at[t]], rows_s.at[b],
                gsems[b]).wait()
            pltpu.make_async_copy(
                pdst_hbm.at[idx_d.at[t]], rows_d.at[b],
                gsems[b]).wait()

        def fire_writes(t, b):
            off = chunk_off(t)
            pltpu.async_copy(
                rows_s.at[b], gb_hbm.at[pl.ds(off, _CH), pl.ds(0, _CZ)], wsem)
            pltpu.async_copy(
                rows_d.at[b], gb_hbm.at[pl.ds(off, _CH), pl.ds(_CZ, _CZ)],
                wsem)

        def wait_writes(t, b):
            off = chunk_off(t)
            pltpu.make_async_copy(
                rows_s.at[b], gb_hbm.at[pl.ds(off, _CH), pl.ds(0, _CZ)],
                wsem).wait()
            pltpu.make_async_copy(
                rows_d.at[b], gb_hbm.at[pl.ds(off, _CH), pl.ds(_CZ, _CZ)],
                wsem).wait()

        def body(i, carry):
            for b in range(_NB):
                t_prev = (i - 1) * _NB + b

                @pl.when((i > 0) & (chunk_off(t_prev) < _E))
                def _():
                    wait_writes(t_prev, b)

            for b in range(_NB):
                fire_gathers(i * _NB + b, b)
            for b in range(_NB):
                t = i * _NB + b
                wait_gathers(t, b)

                @pl.when(chunk_off(t) < _E)
                def _():
                    fire_writes(t, b)

            return carry

        lax.fori_loop(0, _GROUPS, body, 0)

        for b in range(_NB):
            t_last = (_GROUPS - 1) * _NB + b

            @pl.when(chunk_off(t_last) < _E)
            def _():
                wait_writes(t_last, b)

    return gather_kernel


_gather_cache = []


def _gather(ps, pd, src, dst):
    if not _gather_cache:
        _gather_cache.append(_make_gather())
    return _gather_cache[0](ps, pd, src, dst)


def _mlp_body(ef_ref, gb_ref, w1_ref, w2_ref, b2_ref, wg_ref, bg_ref,
              wl_ref, bl_ref, gamma_ref, beta_ref, out_ref):
    x = jnp.dot(ef_ref[...], w1_ref[...], preferred_element_type=jnp.float32)
    gb = gb_ref[...]
    x = jnp.maximum(x + gb[:, :_CZ] + gb[:, _CZ:], 0.0)
    x = jnp.dot(x, w2_ref[...], preferred_element_type=jnp.float32) + b2_ref[...]
    x = jnp.maximum(x, 0.0)
    gate = jnp.dot(x, wg_ref[...], preferred_element_type=jnp.float32) + bg_ref[...]
    lin = jnp.dot(x, wl_ref[...], preferred_element_type=jnp.float32) + bl_ref[...]
    y = lin * jax.nn.sigmoid(gate)
    mean = jnp.mean(y, axis=-1, keepdims=True)
    yc = y - mean
    var = jnp.mean(yc * yc, axis=-1, keepdims=True)
    out_ref[...] = yc * lax.rsqrt(var + 1e-5) * gamma_ref[...] + beta_ref[...]


def _mlp(ef, gb, w1ef, w2, b2, wg, bg, wl, bl, gamma, beta):
    grid = _E // _BE
    return pl.pallas_call(
        _mlp_body,
        grid=(grid,),
        in_specs=[
            pl.BlockSpec((_BE, _DEF), lambda i: (i, 0)),
            pl.BlockSpec((_BE, 2 * _CZ), lambda i: (i, 0)),
            pl.BlockSpec((_DEF, _CZ), lambda i: (0, 0)),
            pl.BlockSpec((_CZ, _CZ), lambda i: (0, 0)),
            pl.BlockSpec((1, _CZ), lambda i: (0, 0)),
            pl.BlockSpec((_CZ, _CZ), lambda i: (0, 0)),
            pl.BlockSpec((1, _CZ), lambda i: (0, 0)),
            pl.BlockSpec((_CZ, _CZ), lambda i: (0, 0)),
            pl.BlockSpec((1, _CZ), lambda i: (0, 0)),
            pl.BlockSpec((1, _CZ), lambda i: (0, 0)),
            pl.BlockSpec((1, _CZ), lambda i: (0, 0)),
        ],
        out_specs=pl.BlockSpec((_BE, _CZ), lambda i: (i, 0)),
        out_shape=jax.ShapeDtypeStruct((_E, _CZ), jnp.float32),
    )(ef, gb, w1ef, w2, b2.reshape(1, _CZ), wg, bg.reshape(1, _CZ),
      wl, bl.reshape(1, _CZ), gamma.reshape(1, _CZ), beta.reshape(1, _CZ))


def kernel(node_features, latent_features, edge_features, edge_index,
           W1, b1, W2, b2, Wg, bg, Wl, bl, gamma, beta):
    w1ef = W1[:_DEF]
    wns = W1[_DEF:_DEF + _CS]
    wnd = W1[_DEF + _CS:_DEF + 2 * _CS]
    wls = W1[_DEF + 2 * _CS:_DEF + 2 * _CS + _CL]
    wld = W1[_DEF + 2 * _CS + _CL:]
    idx = edge_index.astype(jnp.int32)
    pad = jnp.zeros((2, _E_PAD - _E), jnp.int32)
    idx = jnp.concatenate([idx, pad], axis=1)
    src = idx[0].reshape(_E_PAD // _CH, _CH)
    dst = idx[1].reshape(_E_PAD // _CH, _CH)

    ps, pd = _precompute(node_features, latent_features, wns, wls, wnd, wld, b1)
    gb = _gather(ps, pd, src, dst)
    return _mlp(edge_features, gb, w1ef, W2, b2, Wg, bg, Wl, bl,
                gamma, beta)

# --- scband reference (transcript-rebuilt; emitter-appended) ---
"""Pipeline reference for scband-dynamic-graph-ipa-frame-denoiser-56856777064493 (READ-ONLY COPY).

The authoritative reference and input builder live on the scoring server;
editing this copy changes nothing except your own understanding.
"""

import jax, jax.numpy as jnp
import numpy as np

N = 10000
E = 160000
C_S = 128
C_LATENT = 64
C_Z = 64
D_EF = 107  # edge_in - 2*c_s - 2*c_latent, edge_in = 491
EDGE_IN = D_EF + 2 * C_S + 2 * C_LATENT  # 491


def setup_inputs(seed: int = 0) -> dict:
    key = jax.random.key(seed)
    ks = jax.random.split(key, 16)
    node_features = jax.random.normal(ks[0], (N, C_S), dtype=jnp.float32)
    latent_features = jax.random.normal(ks[1], (N, C_LATENT), dtype=jnp.float32)
    edge_features = jax.random.normal(ks[2], (E, D_EF), dtype=jnp.float32)
    edge_index = jax.random.randint(ks[3], (2, E), 0, N, dtype=jnp.int64)
    # EdgeEmbed parameters (n_layers=3: Linear(edge_in,c_z)+ReLU, Linear(c_z,c_z)+ReLU),
    # gate Linear(c_z,c_z), last Linear(c_z,c_z), LayerNorm(c_z). gate_edge=True, skip_conn=False.
    def lin(k, fi, fo):
        kw, kb = jax.random.split(k)
        W = jax.random.normal(kw, (fi, fo), dtype=jnp.float32) / np.sqrt(fi)
        b = jnp.zeros((fo,), dtype=jnp.float32)
        return W, b
    W1, b1 = lin(ks[4], EDGE_IN, C_Z)
    W2, b2 = lin(ks[5], C_Z, C_Z)
    Wg, bg = lin(ks[6], C_Z, C_Z)
    Wl, bl = lin(ks[7], C_Z, C_Z)
    gamma = jnp.ones((C_Z,), dtype=jnp.float32)
    beta = jnp.zeros((C_Z,), dtype=jnp.float32)
    return {
        'node_features': node_features,
        'latent_features': latent_features,
        'edge_features': edge_features,
        'edge_index': edge_index,
        'W1': W1, 'b1': b1, 'W2': W2, 'b2': b2,
        'Wg': Wg, 'bg': bg, 'Wl': Wl, 'bl': bl,
        'gamma': gamma, 'beta': beta,
    }


def _layer_norm(x, gamma, beta, eps=1e-5):
    mean = jnp.mean(x, axis=-1, keepdims=True)
    var = jnp.var(x, axis=-1, keepdims=True)
    return (x - mean) / jnp.sqrt(var + eps) * gamma + beta


def reference(node_features, latent_features, edge_features, edge_index,
              W1, b1, W2, b2, Wg, bg, Wl, bl, gamma, beta):
    # BackboneDenoisingLayer spatial-edge message passing core:
    # gather endpoint node/latent features per edge, concat with edge features,
    # then EdgeEmbed (gated MLP + LayerNorm).
    src = edge_index[0]
    dst = edge_index[1]
    edge_inputs = jnp.concatenate([
        edge_features,
        jnp.take(node_features, src, axis=0),
        jnp.take(node_features, dst, axis=0),
        jnp.take(latent_features, src, axis=0),
        jnp.take(latent_features, dst, axis=0),
    ], axis=-1)
    x = jax.nn.relu(edge_inputs @ W1 + b1)
    x = jax.nn.relu(x @ W2 + b2)
    gate = x @ Wg + bg
    x = jax.nn.sigmoid(gate) * (x @ Wl + bl)
    x = _layer_norm(x, gamma, beta)
    return x

if __name__ == "__main__":
    import jax
    _d = setup_inputs()
    print(jax.jit(kernel)(*tuple(_d.values())))

</pallas_src>

<mosaic_0001>
#map = affine_map<(d0, d1) -> (0, 0)>
module attributes {stable_mosaic.version = 14 : i64} {
  func.func @gather_kernel(%arg0: i32, %arg1: i32, %arg2: memref<10000x64xf32, #tpu.memory_space<hbm>>, %arg3: memref<10000x64xf32, #tpu.memory_space<hbm>>, %arg4: memref<1280x128xi32, #tpu.memory_space<hbm>>, %arg5: memref<1280x128xi32, #tpu.memory_space<hbm>>, %arg6: memref<160000x128xf32, #tpu.memory_space<hbm>>, %arg7: memref<40x128xi32, #tpu.memory_space<vmem>>, %arg8: memref<40x128xi32, #tpu.memory_space<vmem>>, %arg9: memref<4x128x64xf32, #tpu.memory_space<vmem>>, %arg10: memref<4x128x64xf32, #tpu.memory_space<vmem>>, %arg11: memref<!tpu.dma_semaphore, #tpu.memory_space<semaphore_mem>>, %arg12: memref<!tpu.dma_semaphore, #tpu.memory_space<semaphore_mem>>, %arg13: memref<!tpu.dma_semaphore, #tpu.memory_space<semaphore_mem>>, %arg14: memref<!tpu.dma_semaphore, #tpu.memory_space<semaphore_mem>>, %arg15: memref<!tpu.dma_semaphore, #tpu.memory_space<semaphore_mem>>) attributes {dimension_semantics = [#tpu.dimension_semantics<core_parallel>, #tpu.dimension_semantics<subcore_parallel>], iteration_bounds = array<i64: 2, 16>, scalar_prefetch = 0 : i64, scratch_operands = 9 : i64, tpu.core_type = #tpu.core_type<sc_vector_subcore>, window_params = [{transform_indices = #map}, {transform_indices = #map}, {transform_indices = #map}, {transform_indices = #map}, {transform_indices = #map}]} {
    %mul3A = arith.constant 2 : i32
    %mul3A_0 = arith.muli %arg1, %mul3A : i32
    %add3A = arith.addi %mul3A_0, %arg0 : i32
    %mul3A_1 = arith.constant 5120 : i32
    %mul3A_2 = arith.muli %add3A, %mul3A_1 : i32
    %mul3A_3 = arith.constant 40 : i32
    %mul3A_4 = arith.muli %add3A, %mul3A_3 : i32
    "tpu.region"() ({
      %run_scoped3A = tpu.sem_alloc : memref<!tpu.dma_semaphore, #tpu.memory_space<semaphore_mem>>
      %dma_start3A = arith.constant 0 : i32
      %dma_start3A_35 = tpu.memref_slice %arg4[%mul3A_4, %dma_start3A] : memref<1280x128xi32, #tpu.memory_space<hbm>> -> memref<40x128xi32, #tpu.memory_space<hbm>>
      %dma_start3A_36 = arith.constant 0 : i32
      %dma_start3A_37 = tpu.memref_slice %arg4[%mul3A_4, %dma_start3A_36] : memref<1280x128xi32, #tpu.memory_space<hbm>> -> memref<40x128xi32, #tpu.memory_space<hbm>>
      tpu.enqueue_dma source(%dma_start3A_37 : memref<40x128xi32, #tpu.memory_space<hbm>>) target(%arg7 : memref<40x128xi32, #tpu.memory_space<vmem>>) target_semaphore(%run_scoped3A : memref<!tpu.dma_semaphore, #tpu.memory_space<semaphore_mem>>)
      %dma_wait3A = arith.constant 0 : i32
      %dma_wait3A_38 = tpu.memref_slice %arg4[%mul3A_4, %dma_wait3A] : memref<1280x128xi32, #tpu.memory_space<hbm>> -> memref<40x128xi32, #tpu.memory_space<hbm>>
      %dma_wait3A_39 = arith.constant 0 : i32
      %dma_wait3A_40 = tpu.memref_slice %arg4[%mul3A_4, %dma_wait3A_39] : memref<1280x128xi32, #tpu.memory_space<hbm>> -> memref<40x128xi32, #tpu.memory_space<hbm>>
      tpu.wait_dma2 semaphore(%run_scoped3A : memref<!tpu.dma_semaphore, #tpu.memory_space<semaphore_mem>>) src(%dma_wait3A_40 : memref<40x128xi32, #tpu.memory_space<hbm>>) dst(%arg7 : memref<40x128xi32, #tpu.memory_space<vmem>>)
      tpu.yield
    }) : () -> ()
    "tpu.region"() ({
      %run_scoped3A = tpu.sem_alloc : memref<!tpu.dma_semaphore, #tpu.memory_space<semaphore_mem>>
      %dma_start3A = arith.constant 0 : i32
      %dma_start3A_35 = tpu.memref_slice %arg5[%mul3A_4, %dma_start3A] : memref<1280x128xi32, #tpu.memory_space<hbm>> -> memref<40x128xi32, #tpu.memory_space<hbm>>
      %dma_start3A_36 = arith.constant 0 : i32
      %dma_start3A_37 = tpu.memref_slice %arg5[%mul3A_4, %dma_start3A_36] : memref<1280x128xi32, #tpu.memory_space<hbm>> -> memref<40x128xi32, #tpu.memory_space<hbm>>
      tpu.enqueue_dma source(%dma_start3A_37 : memref<40x128xi32, #tpu.memory_space<hbm>>) target(%arg8 : memref<40x128xi32, #tpu.memory_space<vmem>>) target_semaphore(%run_scoped3A : memref<!tpu.dma_semaphore, #tpu.memory_space<semaphore_mem>>)
      %dma_wait3A = arith.constant 0 : i32
      %dma_wait3A_38 = tpu.memref_slice %arg5[%mul3A_4, %dma_wait3A] : memref<1280x128xi32, #tpu.memory_space<hbm>> -> memref<40x128xi32, #tpu.memory_space<hbm>>
      %dma_wait3A_39 = arith.constant 0 : i32
      %dma_wait3A_40 = tpu.memref_slice %arg5[%mul3A_4, %dma_wait3A_39] : memref<1280x128xi32, #tpu.memory_space<hbm>> -> memref<40x128xi32, #tpu.memory_space<hbm>>
      tpu.wait_dma2 semaphore(%run_scoped3A : memref<!tpu.dma_semaphore, #tpu.memory_space<semaphore_mem>>) src(%dma_wait3A_40 : memref<40x128xi32, #tpu.memory_space<hbm>>) dst(%arg8 : memref<40x128xi32, #tpu.memory_space<vmem>>)
      tpu.yield
    }) : () -> ()
    %scan3A = arith.constant 0 : i32
    %scan3A_5 = arith.constant 0 : i32
    %scan3A_6 = arith.constant 10 : i32
    %scan3A_7 = arith.addi %scan3A_5, %scan3A_6 : i32
    %scan3A_8 = arith.constant 1 : i32
    scf.for %scan3A_35 = %scan3A_5 to %scan3A_7 step %scan3A_8  : i32 {
      %sub3A = arith.constant 1 : i32
      %sub3A_36 = arith.subi %scan3A_35, %sub3A : i32
      %mul3A_37 = arith.constant 4 : i32
      %mul3A_38 = arith.muli %sub3A_36, %mul3A_37 : i32
      %add3A_39 = arith.constant 0 : i32
      %add3A_40 = arith.addi %mul3A_38, %add3A_39 : i32
      %gt3A = arith.constant 0 : i32
      %gt3A_41 = arith.cmpi sgt, %scan3A_35, %gt3A : i32
      %mul3A_42 = arith.constant 128 : i32
      %mul3A_43 = arith.muli %add3A_40, %mul3A_42 : i32
      %add3A_44 = arith.addi %mul3A_2, %mul3A_43 : i32
      %lt3A_45 = arith.constant 160000 : i32
      %lt3A_46 = arith.cmpi slt, %add3A_44, %lt3A_45 : i32
      %and3A = arith.andi %gt3A_41, %lt3A_46 : i1
      %convert_element_type3A_47 = arith.extui %and3A : i1 to i32
      %cond3A_48 = arith.constant 0 : i32
      %cond3A_49 = arith.cmpi ne, %convert_element_type3A_47, %cond3A_48 : i32
      scf.if %cond3A_49 {
        %mul3A_339 = arith.constant 128 : i32
        %mul3A_340 = arith.muli %add3A_40, %mul3A_339 : i32
        %add3A_341 = arith.addi %mul3A_2, %mul3A_340 : i32
        %dma_wait3A_342 = arith.constant 0 : i32
        %dma_wait3A_343 = arith.constant 0 : i32
        %dma_wait3A_344 = arith.constant 0 : i32
        %dma_wait3A_345 = tpu.memref_slice %arg9[%dma_wait3A_342, %dma_wait3A_343, %dma_wait3A_344] : memref<4x128x64xf32, #tpu.memory_space<vmem>> -> memref<1x128x64xf32, #tpu.memory_space<vmem>>
        %dma_wait3A_346 = tpu.memref_squeeze %dma_wait3A_345 : memref<1x128x64xf32, #tpu.memory_space<vmem>> -> memref<128x64xf32, #tpu.memory_space<vmem>>
        %dma_wait3A_347 = arith.constant 0 : i32
        %dma_wait3A_348 = tpu.memref_slice %arg6[%add3A_341, %dma_wait3A_347] : memref<160000x128xf32, #tpu.memory_space<hbm>> -> memref<128x64xf32, #tpu.memory_space<hbm>>
        %dma_wait3A_349 = arith.constant 0 : i32
        %dma_wait3A_350 = tpu.memref_slice %arg6[%add3A_341, %dma_wait3A_349] : memref<160000x128xf32, #tpu.memory_space<hbm>> -> memref<128x64xf32, #tpu.memory_space<hbm>>
        %dma_wait3A_351 = arith.constant 0 : i32
        %dma_wait3A_352 = arith.constant 0 : i32
        %dma_wait3A_353 = tpu.memref_slice %arg9[%dma_wait3A_342, %dma_wait3A_351, %dma_wait3A_352] : memref<4x128x64xf32, #tpu.memory_space<vmem>> -> memref<1x128x64xf32, #tpu.memory_space<vmem>>
        %dma_wait3A_354 = tpu.memref_squeeze %dma_wait3A_353 : memref<1x128x64xf32, #tpu.memory_space<vmem>> -> memref<128x64xf32, #tpu.memory_space<vmem>>
        tpu.wait_dma2 semaphore(%arg15 : memref<!tpu.dma_semaphore, #tpu.memory_space<semaphore_mem>>) src(%dma_wait3A_354 : memref<128x64xf32, #tpu.memory_space<vmem>>) dst(%dma_wait3A_350 : memref<128x64xf32, #tpu.memory_space<hbm>>)
        %dma_wait3A_355 = arith.constant 0 : i32
        %dma_wait3A_356 = arith.constant 0 : i32
        %dma_wait3A_357 = arith.constant 0 : i32
        %dma_wait3A_358 = tpu.memref_slice %arg10[%dma_wait3A_355, %dma_wait3A_356, %dma_wait3A_357] : memref<4x128x64xf32, #tpu.memory_space<vmem>> -> memref<1x128x64xf32, #tpu.memory_space<vmem>>
        %dma_wait3A_359 = tpu.memref_squeeze %dma_wait3A_358 : memref<1x128x64xf32, #tpu.memory_space<vmem>> -> memref<128x64xf32, #tpu.memory_space<vmem>>
        %dma_wait3A_360 = arith.constant 64 : i32
        %dma_wait3A_361 = tpu.memref_slice %arg6[%add3A_341, %dma_wait3A_360] : memref<160000x128xf32, #tpu.memory_space<hbm>> -> memref<128x64xf32, #tpu.memory_space<hbm>>
        %dma_wait3A_362 = arith.constant 64 : i32
        %dma_wait3A_363 = tpu.memref_slice %arg6[%add3A_341, %dma_wait3A_362] : memref<160000x128xf32, #tpu.memory_space<hbm>> -> memref<128x64xf32, #tpu.memory_space<hbm>>
        %dma_wait3A_364 = arith.constant 0 : i32
        %dma_wait3A_365 = arith.constant 0 : i32
        %dma_wait3A_366 = tpu.memref_slice %arg10[%dma_wait3A_355, %dma_wait3A_364, %dma_wait3A_365] : memref<4x128x64xf32, #tpu.memory_space<vmem>> -> memref<1x128x64xf32, #tpu.memory_space<vmem>>
        %dma_wait3A_367 = tpu.memref_squeeze %dma_wait3A_366 : memref<1x128x64xf32, #tpu.memory_space<vmem>> -> memref<128x64xf32, #tpu.memory_space<vmem>>
        tpu.wait_dma2 semaphore(%arg15 : memref<!tpu.dma_semaphore, #tpu.memory_space<semaphore_mem>>) src(%dma_wait3A_367 : memref<128x64xf32, #tpu.memory_space<vmem>>) dst(%dma_wait3A_363 : memref<128x64xf32, #tpu.memory_space<hbm>>)
      } else {
      }
      %sub3A_50 = arith.constant 1 : i32
      %sub3A_51 = arith.subi %scan3A_35, %sub3A_50 : i32
      %mul3A_52 = arith.constant 4 : i32
      %mul3A_53 = arith.muli %sub3A_51, %mul3A_52 : i32
      %add3A_54 = arith.constant 1 : i32
      %add3A_55 = arith.addi %mul3A_53, %add3A_54 : i32
      %gt3A_56 = arith.constant 0 : i32
      %gt3A_57 = arith.cmpi sgt, %scan3A_35, %gt3A_56 : i32
      %mul3A_58 = arith.constant 128 : i32
      %mul3A_59 = arith.muli %add3A_55, %mul3A_58 : i32
      %add3A_60 = arith.addi %mul3A_2, %mul3A_59 : i32
      %lt3A_61 = arith.constant 160000 : i32
      %lt3A_62 = arith.cmpi slt, %add3A_60, %lt3A_61 : i32
      %and3A_63 = arith.andi %gt3A_57, %lt3A_62 : i1
      %convert_element_type3A_64 = arith.extui %and3A_63 : i1 to i32
      %cond3A_65 = arith.constant 0 : i32
      %cond3A_66 = arith.cmpi ne, %convert_element_type3A_64, %cond3A_65 : i32
      scf.if %cond3A_66 {
        %mul3A_339 = arith.constant 128 : i32
        %mul3A_340 = arith.muli %add3A_55, %mul3A_339 : i32
        %add3A_341 = arith.addi %mul3A_2, %mul3A_340 : i32
        %dma_wait3A_342 = arith.constant 1 : i32
        %dma_wait3A_343 = arith.constant 0 : i32
        %dma_wait3A_344 = arith.constant 0 : i32
        %dma_wait3A_345 = tpu.memref_slice %arg9[%dma_wait3A_342, %dma_wait3A_343, %dma_wait3A_344] : memref<4x128x64xf32, #tpu.memory_space<vmem>> -> memref<1x128x64xf32, #tpu.memory_space<vmem>>
        %dma_wait3A_346 = tpu.memref_squeeze %dma_wait3A_345 : memref<1x128x64xf32, #tpu.memory_space<vmem>> -> memref<128x64xf32, #tpu.memory_space<vmem>>
        %dma_wait3A_347 = arith.constant 0 : i32
        %dma_wait3A_348 = tpu.memref_slice %arg6[%add3A_341, %dma_wait3A_347] : memref<160000x128xf32, #tpu.memory_space<hbm>> -> memref<128x64xf32, #tpu.memory_space<hbm>>
        %dma_wait3A_349 = arith.constant 0 : i32
        %dma_wait3A_350 = tpu.memref_slice %arg6[%add3A_341, %dma_wait3A_349] : memref<160000x128xf32, #tpu.memory_space<hbm>> -> memref<128x64xf32, #tpu.memory_space<hbm>>
        %dma_wait3A_351 = arith.constant 0 : i32
        %dma_wait3A_352 = arith.constant 0 : i32
        %dma_wait3A_353 = tpu.memref_slice %arg9[%dma_wait3A_342, %dma_wait3A_351, %dma_wait3A_352] : memref<4x128x64xf32, #tpu.memory_space<vmem>> -> memref<1x128x64xf32, #tpu.memory_space<vmem>>
        %dma_wait3A_354 = tpu.memref_squeeze %dma_wait3A_353 : memref<1x128x64xf32, #tpu.memory_space<vmem>> -> memref<128x64xf32, #tpu.memory_space<vmem>>
        tpu.wait_dma2 semaphore(%arg15 : memref<!tpu.dma_semaphore, #tpu.memory_space<semaphore_mem>>) src(%dma_wait3A_354 : memref<128x64xf32, #tpu.memory_space<vmem>>) dst(%dma_wait3A_350 : memref<128x64xf32, #tpu.memory_space<hbm>>)
        %dma_wait3A_355 = arith.constant 1 : i32
        %dma_wait3A_356 = arith.constant 0 : i32
        %dma_wait3A_357 = arith.constant 0 : i32
        %dma_wait3A_358 = tpu.memref_slice %arg10[%dma_wait3A_355, %dma_wait3A_356, %dma_wait3A_357] : memref<4x128x64xf32, #tpu.memory_space<vmem>> -> memref<1x128x64xf32, #tpu.memory_space<vmem>>
        %dma_wait3A_359 = tpu.memref_squeeze %dma_wait3A_358 : memref<1x128x64xf32, #tpu.memory_space<vmem>> -> memref<128x64xf32, #tpu.memory_space<vmem>>
        %dma_wait3A_360 = arith.constant 64 : i32
        %dma_wait3A_361 = tpu.memref_slice %arg6[%add3A_341, %dma_wait3A_360] : memref<160000x128xf32, #tpu.memory_space<hbm>> -> memref<128x64xf32, #tpu.memory_space<hbm>>
        %dma_wait3A_362 = arith.constant 64 : i32
        %dma_wait3A_363 = tpu.memref_slice %arg6[%add3A_341, %dma_wait3A_362] : memref<160000x128xf32, #tpu.memory_space<hbm>> -> memref<128x64xf32, #tpu.memory_space<hbm>>
        %dma_wait3A_364 = arith.constant 0 : i32
        %dma_wait3A_365 = arith.constant 0 : i32
        %dma_wait3A_366 = tpu.memref_slice %arg10[%dma_wait3A_355, %dma_wait3A_364, %dma_wait3A_365] : memref<4x128x64xf32, #tpu.memory_space<vmem>> -> memref<1x128x64xf32, #tpu.memory_space<vmem>>
        %dma_wait3A_367 = tpu.memref_squeeze %dma_wait3A_366 : memref<1x128x64xf32, #tpu.memory_space<vmem>> -> memref<128x64xf32, #tpu.memory_space<vmem>>
        tpu.wait_dma2 semaphore(%arg15 : memref<!tpu.dma_semaphore, #tpu.memory_space<semaphore_mem>>) src(%dma_wait3A_367 : memref<128x64xf32, #tpu.memory_space<vmem>>) dst(%dma_wait3A_363 : memref<128x64xf32, #tpu.memory_space<hbm>>)
      } else {
      }
      %sub3A_67 = arith.constant 1 : i32
      %sub3A_68 = arith.subi %scan3A_35, %sub3A_67 : i32
      %mul3A_69 = arith.constant 4 : i32
      %mul3A_70 = arith.muli %sub3A_68, %mul3A_69 : i32
      %add3A_71 = arith.constant 2 : i32
      %add3A_72 = arith.addi %mul3A_70, %add3A_71 : i32
      %gt3A_73 = arith.constant 0 : i32
      %gt3A_74 = arith.cmpi sgt, %scan3A_35, %gt3A_73 : i32
      %mul3A_75 = arith.constant 128 : i32
      %mul3A_76 = arith.muli %add3A_72, %mul3A_75 : i32
      %add3A_77 = arith.addi %mul3A_2, %mul3A_76 : i32
      %lt3A_78 = arith.constant 160000 : i32
      %lt3A_79 = arith.cmpi slt, %add3A_77, %lt3A_78 : i32
      %and3A_80 = arith.andi %gt3A_74, %lt3A_79 : i1
      %convert_element_type3A_81 = arith.extui %and3A_80 : i1 to i32
      %cond3A_82 = arith.constant 0 : i32
      %cond3A_83 = arith.cmpi ne, %convert_element_type3A_81, %cond3A_82 : i32
      scf.if %cond3A_83 {
        %mul3A_339 = arith.constant 128 : i32
        %mul3A_340 = arith.muli %add3A_72, %mul3A_339 : i32
        %add3A_341 = arith.addi %mul3A_2, %mul3A_340 : i32
        %dma_wait3A_342 = arith.constant 2 : i32
        %dma_wait3A_343 = arith.constant 0 : i32
        %dma_wait3A_344 = arith.constant 0 : i32
        %dma_wait3A_345 = tpu.memref_slice %arg9[%dma_wait3A_342, %dma_wait3A_343, %dma_wait3A_344] : memref<4x128x64xf32, #tpu.memory_space<vmem>> -> memref<1x128x64xf32, #tpu.memory_space<vmem>>
        %dma_wait3A_346 = tpu.memref_squeeze %dma_wait3A_345 : memref<1x128x64xf32, #tpu.memory_space<vmem>> -> memref<128x64xf32, #tpu.memory_space<vmem>>
        %dma_wait3A_347 = arith.constant 0 : i32
        %dma_wait3A_348 = tpu.memref_slice %arg6[%add3A_341, %dma_wait3A_347] : memref<160000x128xf32, #tpu.memory_space<hbm>> -> memref<128x64xf32, #tpu.memory_space<hbm>>
        %dma_wait3A_349 = arith.constant 0 : i32
        %dma_wait3A_350 = tpu.memref_slice %arg6[%add3A_341, %dma_wait3A_349] : memref<160000x128xf32, #tpu.memory_space<hbm>> -> memref<128x64xf32, #tpu.memory_space<hbm>>
        %dma_wait3A_351 = arith.constant 0 : i32
        %dma_wait3A_352 = arith.constant 0 : i32
        %dma_wait3A_353 = tpu.memref_slice %arg9[%dma_wait3A_342, %dma_wait3A_351, %dma_wait3A_352] : memref<4x128x64xf32, #tpu.memory_space<vmem>> -> memref<1x128x64xf32, #tpu.memory_space<vmem>>
        %dma_wait3A_354 = tpu.memref_squeeze %dma_wait3A_353 : memref<1x128x64xf32, #tpu.memory_space<vmem>> -> memref<128x64xf32, #tpu.memory_space<vmem>>
        tpu.wait_dma2 semaphore(%arg15 : memref<!tpu.dma_semaphore, #tpu.memory_space<semaphore_mem>>) src(%dma_wait3A_354 : memref<128x64xf32, #tpu.memory_space<vmem>>) dst(%dma_wait3A_350 : memref<128x64xf32, #tpu.memory_space<hbm>>)
        %dma_wait3A_355 = arith.constant 2 : i32
        %dma_wait3A_356 = arith.constant 0 : i32
        %dma_wait3A_357 = arith.constant 0 : i32
        %dma_wait3A_358 = tpu.memref_slice %arg10[%dma_wait3A_355, %dma_wait3A_356, %dma_wait3A_357] : memref<4x128x64xf32, #tpu.memory_space<vmem>> -> memref<1x128x64xf32, #tpu.memory_space<vmem>>
        %dma_wait3A_359 = tpu.memref_squeeze %dma_wait3A_358 : memref<1x128x64xf32, #tpu.memory_space<vmem>> -> memref<128x64xf32, #tpu.memory_space<vmem>>
        %dma_wait3A_360 = arith.constant 64 : i32
        %dma_wait3A_361 = tpu.memref_slice %arg6[%add3A_341, %dma_wait3A_360] : memref<160000x128xf32, #tpu.memory_space<hbm>> -> memref<128x64xf32, #tpu.memory_space<hbm>>
        %dma_wait3A_362 = arith.constant 64 : i32
        %dma_wait3A_363 = tpu.memref_slice %arg6[%add3A_341, %dma_wait3A_362] : memref<160000x128xf32, #tpu.memory_space<hbm>> -> memref<128x64xf32, #tpu.memory_space<hbm>>
        %dma_wait3A_364 = arith.constant 0 : i32
        %dma_wait3A_365 = arith.constant 0 : i32
        %dma_wait3A_366 = tpu.memref_slice %arg10[%dma_wait3A_355, %dma_wait3A_364, %dma_wait3A_365] : memref<4x128x64xf32, #tpu.memory_space<vmem>> -> memref<1x128x64xf32, #tpu.memory_space<vmem>>
        %dma_wait3A_367 = tpu.memref_squeeze %dma_wait3A_366 : memref<1x128x64xf32, #tpu.memory_space<vmem>> -> memref<128x64xf32, #tpu.memory_space<vmem>>
        tpu.wait_dma2 semaphore(%arg15 : memref<!tpu.dma_semaphore, #tpu.memory_space<semaphore_mem>>) src(%dma_wait3A_367 : memref<128x64xf32, #tpu.memory_space<vmem>>) dst(%dma_wait3A_363 : memref<128x64xf32, #tpu.memory_space<hbm>>)
      } else {
      }
      %sub3A_84 = arith.constant 1 : i32
      %sub3A_85 = arith.subi %scan3A_35, %sub3A_84 : i32
      %mul3A_86 = arith.constant 4 : i32
      %mul3A_87 = arith.muli %sub3A_85, %mul3A_86 : i32
      %add3A_88 = arith.constant 3 : i32
      %add3A_89 = arith.addi %mul3A_87, %add3A_88 : i32
      %gt3A_90 = arith.constant 0 : i32
      %gt3A_91 = arith.cmpi sgt, %scan3A_35, %gt3A_90 : i32
      %mul3A_92 = arith.constant 128 : i32
      %mul3A_93 = arith.muli %add3A_89, %mul3A_92 : i32
      %add3A_94 = arith.addi %mul3A_2, %mul3A_93 : i32
      %lt3A_95 = arith.constant 160000 : i32
      %lt3A_96 = arith.cmpi slt, %add3A_94, %lt3A_95 : i32
      %and3A_97 = arith.andi %gt3A_91, %lt3A_96 : i1
      %convert_element_type3A_98 = arith.extui %and3A_97 : i1 to i32
      %cond3A_99 = arith.constant 0 : i32
      %cond3A_100 = arith.cmpi ne, %convert_element_type3A_98, %cond3A_99 : i32
      scf.if %cond3A_100 {
        %mul3A_339 = arith.constant 128 : i32
        %mul3A_340 = arith.muli %add3A_89, %mul3A_339 : i32
        %add3A_341 = arith.addi %mul3A_2, %mul3A_340 : i32
        %dma_wait3A_342 = arith.constant 3 : i32
        %dma_wait3A_343 = arith.constant 0 : i32
        %dma_wait3A_344 = arith.constant 0 : i32
        %dma_wait3A_345 = tpu.memref_slice %arg9[%dma_wait3A_342, %dma_wait3A_343, %dma_wait3A_344] : memref<4x128x64xf32, #tpu.memory_space<vmem>> -> memref<1x128x64xf32, #tpu.memory_space<vmem>>
        %dma_wait3A_346 = tpu.memref_squeeze %dma_wait3A_345 : memref<1x128x64xf32, #tpu.memory_space<vmem>> -> memref<128x64xf32, #tpu.memory_space<vmem>>
        %dma_wait3A_347 = arith.constant 0 : i32
        %dma_wait3A_348 = tpu.memref_slice %arg6[%add3A_341, %dma_wait3A_347] : memref<160000x128xf32, #tpu.memory_space<hbm>> -> memref<128x64xf32, #tpu.memory_space<hbm>>
        %dma_wait3A_349 = arith.constant 0 : i32
        %dma_wait3A_350 = tpu.memref_slice %arg6[%add3A_341, %dma_wait3A_349] : memref<160000x128xf32, #tpu.memory_space<hbm>> -> memref<128x64xf32, #tpu.memory_space<hbm>>
        %dma_wait3A_351 = arith.constant 0 : i32
        %dma_wait3A_352 = arith.constant 0 : i32
        %dma_wait3A_353 = tpu.memref_slice %arg9[%dma_wait3A_342, %dma_wait3A_351, %dma_wait3A_352] : memref<4x128x64xf32, #tpu.memory_space<vmem>> -> memref<1x128x64xf32, #tpu.memory_space<vmem>>
        %dma_wait3A_354 = tpu.memref_squeeze %dma_wait3A_353 : memref<1x128x64xf32, #tpu.memory_space<vmem>> -> memref<128x64xf32, #tpu.memory_space<vmem>>
        tpu.wait_dma2 semaphore(%arg15 : memref<!tpu.dma_semaphore, #tpu.memory_space<semaphore_mem>>) src(%dma_wait3A_354 : memref<128x64xf32, #tpu.memory_space<vmem>>) dst(%dma_wait3A_350 : memref<128x64xf32, #tpu.memory_space<hbm>>)
        %dma_wait3A_355 = arith.constant 3 : i32
        %dma_wait3A_356 = arith.constant 0 : i32
        %dma_wait3A_357 = arith.constant 0 : i32
        %dma_wait3A_358 = tpu.memref_slice %arg10[%dma_wait3A_355, %dma_wait3A_356, %dma_wait3A_357] : memref<4x128x64xf32, #tpu.memory_space<vmem>> -> memref<1x128x64xf32, #tpu.memory_space<vmem>>
        %dma_wait3A_359 = tpu.memref_squeeze %dma_wait3A_358 : memref<1x128x64xf32, #tpu.memory_space<vmem>> -> memref<128x64xf32, #tpu.memory_space<vmem>>
        %dma_wait3A_360 = arith.constant 64 : i32
        %dma_wait3A_361 = tpu.memref_slice %arg6[%add3A_341, %dma_wait3A_360] : memref<160000x128xf32, #tpu.memory_space<hbm>> -> memref<128x64xf32, #tpu.memory_space<hbm>>
        %dma_wait3A_362 = arith.constant 64 : i32
        %dma_wait3A_363 = tpu.memref_slice %arg6[%add3A_341, %dma_wait3A_362] : memref<160000x128xf32, #tpu.memory_space<hbm>> -> memref<128x64xf32, #tpu.memory_space<hbm>>
        %dma_wait3A_364 = arith.constant 0 : i32
        %dma_wait3A_365 = arith.constant 0 : i32
        %dma_wait3A_366 = tpu.memref_slice %arg10[%dma_wait3A_355, %dma_wait3A_364, %dma_wait3A_365] : memref<4x128x64xf32, #tpu.memory_space<vmem>> -> memref<1x128x64xf32, #tpu.memory_space<vmem>>
        %dma_wait3A_367 = tpu.memref_squeeze %dma_wait3A_366 : memref<1x128x64xf32, #tpu.memory_space<vmem>> -> memref<128x64xf32, #tpu.memory_space<vmem>>
        tpu.wait_dma2 semaphore(%arg15 : memref<!tpu.dma_semaphore, #tpu.memory_space<semaphore_mem>>) src(%dma_wait3A_367 : memref<128x64xf32, #tpu.memory_space<vmem>>) dst(%dma_wait3A_363 : memref<128x64xf32, #tpu.memory_space<hbm>>)
      } else {
      }
      %mul3A_101 = arith.constant 4 : i32
      %mul3A_102 = arith.muli %scan3A_35, %mul3A_101 : i32
      %add3A_103 = arith.constant 0 : i32
      %add3A_104 = arith.addi %mul3A_102, %add3A_103 : i32
      %dma_start3A = arith.constant 0 : i32
      %dma_start3A_105 = arith.constant 0 : i32
      %dma_start3A_106 = arith.constant 0 : i32
      %dma_start3A_107 = tpu.memref_slice %arg9[%dma_start3A, %dma_start3A_105, %dma_start3A_106] : memref<4x128x64xf32, #tpu.memory_space<vmem>> -> memref<1x128x64xf32, #tpu.memory_space<vmem>>
      %dma_start3A_108 = tpu.memref_squeeze %dma_start3A_107 : memref<1x128x64xf32, #tpu.memory_space<vmem>> -> memref<128x64xf32, #tpu.memory_space<vmem>>
      %dma_start3A_109 = arith.constant 0 : i32
      %dma_start3A_110 = tpu.memref_slice %arg7[%add3A_104, %dma_start3A_109] : memref<40x128xi32, #tpu.memory_space<vmem>> -> memref<1x128xi32, #tpu.memory_space<vmem>>
      %dma_start3A_111 = tpu.memref_squeeze %dma_start3A_110 : memref<1x128xi32, #tpu.memory_space<vmem>> -> memref<128xi32, #tpu.memory_space<vmem>>
      %dma_start3A_112 = arith.constant 0 : i32
      %dma_start3A_113 = arith.constant 0 : i32
      %dma_start3A_114 = tpu.memref_slice %arg2[%dma_start3A_112, %dma_start3A_113] : memref<10000x64xf32, #tpu.memory_space<hbm>> -> memref<10000x64xf32, #tpu.memory_space<hbm>>
      tpu.enqueue_indirect_dma source(%dma_start3A_114 : memref<10000x64xf32, #tpu.memory_space<hbm>>) target(%dma_start3A_108 : memref<128x64xf32, #tpu.memory_space<vmem>>) offsets(%dma_start3A_111 : memref<128xi32, #tpu.memory_space<vmem>>) semaphore(%arg11 : memref<!tpu.dma_semaphore, #tpu.memory_space<semaphore_mem>>)
      %dma_start3A_115 = arith.constant 0 : i32
      %dma_start3A_116 = arith.constant 0 : i32
      %dma_start3A_117 = arith.constant 0 : i32
      %dma_start3A_118 = tpu.memref_slice %arg10[%dma_start3A_115, %dma_start3A_116, %dma_start3A_117] : memref<4x128x64xf32, #tpu.memory_space<vmem>> -> memref<1x128x64xf32, #tpu.memory_space<vmem>>
      %dma_start3A_119 = tpu.memref_squeeze %dma_start3A_118 : memref<1x128x64xf32, #tpu.memory_space<vmem>> -> memref<128x64xf32, #tpu.memory_space<vmem>>
      %dma_start3A_120 = arith.constant 0 : i32
      %dma_start3A_121 = tpu.memref_slice %arg8[%add3A_104, %dma_start3A_120] : memref<40x128xi32, #tpu.memory_space<vmem>> -> memref<1x128xi32, #tpu.memory_space<vmem>>
      %dma_start3A_122 = tpu.memref_squeeze %dma_start3A_121 : memref<1x128xi32, #tpu.memory_space<vmem>> -> memref<128xi32, #tpu.memory_space<vmem>>
      %dma_start3A_123 = arith.constant 0 : i32
      %dma_start3A_124 = arith.constant 0 : i32
      %dma_start3A_125 = tpu.memref_slice %arg3[%dma_start3A_123, %dma_start3A_124] : memref<10000x64xf32, #tpu.memory_space<hbm>> -> memref<10000x64xf32, #tpu.memory_space<hbm>>
      tpu.enqueue_indirect_dma source(%dma_start3A_125 : memref<10000x64xf32, #tpu.memory_space<hbm>>) target(%dma_start3A_119 : memref<128x64xf32, #tpu.memory_space<vmem>>) offsets(%dma_start3A_122 : memref<128xi32, #tpu.memory_space<vmem>>) semaphore(%arg11 : memref<!tpu.dma_semaphore, #tpu.memory_space<semaphore_mem>>)
      %mul3A_126 = arith.constant 4 : i32
      %mul3A_127 = arith.muli %scan3A_35, %mul3A_126 : i32
      %add3A_128 = arith.constant 1 : i32
      %add3A_129 = arith.addi %mul3A_127, %add3A_128 : i32
      %dma_start3A_130 = arith.constant 1 : i32
      %dma_start3A_131 = arith.constant 0 : i32
      %dma_start3A_132 = arith.constant 0 : i32
      %dma_start3A_133 = tpu.memref_slice %arg9[%dma_start3A_130, %dma_start3A_131, %dma_start3A_132] : memref<4x128x64xf32, #tpu.memory_space<vmem>> -> memref<1x128x64xf32, #tpu.memory_space<vmem>>
      %dma_start3A_134 = tpu.memref_squeeze %dma_start3A_133 : memref<1x128x64xf32, #tpu.memory_space<vmem>> -> memref<128x64xf32, #tpu.memory_space<vmem>>
      %dma_start3A_135 = arith.constant 0 : i32
      %dma_start3A_136 = tpu.memref_slice %arg7[%add3A_129, %dma_start3A_135] : memref<40x128xi32, #tpu.memory_space<vmem>> -> memref<1x128xi32, #tpu.memory_space<vmem>>
      %dma_start3A_137 = tpu.memref_squeeze %dma_start3A_136 : memref<1x128xi32, #tpu.memory_space<vmem>> -> memref<128xi32, #tpu.memory_space<vmem>>
      %dma_start3A_138 = arith.constant 0 : i32
      %dma_start3A_139 = arith.constant 0 : i32
      %dma_start3A_140 = tpu.memref_slice %arg2[%dma_start3A_138, %dma_start3A_139] : memref<10000x64xf32, #tpu.memory_space<hbm>> -> memref<10000x64xf32, #tpu.memory_space<hbm>>
      tpu.enqueue_indirect_dma source(%dma_start3A_140 : memref<10000x64xf32, #tpu.memory_space<hbm>>) target(%dma_start3A_134 : memref<128x64xf32, #tpu.memory_space<vmem>>) offsets(%dma_start3A_137 : memref<128xi32, #tpu.memory_space<vmem>>) semaphore(%arg12 : memref<!tpu.dma_semaphore, #tpu.memory_space<semaphore_mem>>)
      %dma_start3A_141 = arith.constant 1 : i32
      %dma_start3A_142 = arith.constant 0 : i32
      %dma_start3A_143 = arith.constant 0 : i32
      %dma_start3A_144 = tpu.memref_slice %arg10[%dma_start3A_141, %dma_start3A_142, %dma_start3A_143] : memref<4x128x64xf32, #tpu.memory_space<vmem>> -> memref<1x128x64xf32, #tpu.memory_space<vmem>>
      %dma_start3A_145 = tpu.memref_squeeze %dma_start3A_144 : memref<1x128x64xf32, #tpu.memory_space<vmem>> -> memref<128x64xf32, #tpu.memory_space<vmem>>
      %dma_start3A_146 = arith.constant 0 : i32
      %dma_start3A_147 = tpu.memref_slice %arg8[%add3A_129, %dma_start3A_146] : memref<40x128xi32, #tpu.memory_space<vmem>> -> memref<1x128xi32, #tpu.memory_space<vmem>>
      %dma_start3A_148 = tpu.memref_squeeze %dma_start3A_147 : memref<1x128xi32, #tpu.memory_space<vmem>> -> memref<128xi32, #tpu.memory_space<vmem>>
      %dma_start3A_149 = arith.constant 0 : i32
      %dma_start3A_150 = arith.constant 0 : i32
      %dma_start3A_151 = tpu.memref_slice %arg3[%dma_start3A_149, %dma_start3A_150] : memref<10000x64xf32, #tpu.memory_space<hbm>> -> memref<10000x64xf32, #tpu.memory_space<hbm>>
      tpu.enqueue_indirect_dma source(%dma_start3A_151 : memref<10000x64xf32, #tpu.memory_space<hbm>>) target(%dma_start3A_145 : memref<128x64xf32, #tpu.memory_space<vmem>>) offsets(%dma_start3A_148 : memref<128xi32, #tpu.memory_space<vmem>>) semaphore(%arg12 : memref<!tpu.dma_semaphore, #tpu.memory_space<semaphore_mem>>)
      %mul3A_152 = arith.constant 4 : i32
      %mul3A_153 = arith.muli %scan3A_35, %mul3A_152 : i32
      %add3A_154 = arith.constant 2 : i32
      %add3A_155 = arith.addi %mul3A_153, %add3A_154 : i32
      %dma_start3A_156 = arith.constant 2 : i32
      %dma_start3A_157 = arith.constant 0 : i32
      %dma_start3A_158 = arith.constant 0 : i32
      %dma_start3A_159 = tpu.memref_slice %arg9[%dma_start3A_156, %dma_start3A_157, %dma_start3A_158] : memref<4x128x64xf32, #tpu.memory_space<vmem>> -> memref<1x128x64xf32, #tpu.memory_space<vmem>>
      %dma_start3A_160 = tpu.memref_squeeze %dma_start3A_159 : memref<1x128x64xf32, #tpu.memory_space<vmem>> -> memref<128x64xf32, #tpu.memory_space<vmem>>
      %dma_start3A_161 = arith.constant 0 : i32
      %dma_start3A_162 = tpu.memref_slice %arg7[%add3A_155, %dma_start3A_161] : memref<40x128xi32, #tpu.memory_space<vmem>> -> memref<1x128xi32, #tpu.memory_space<vmem>>
      %dma_start3A_163 = tpu.memref_squeeze %dma_start3A_162 : memref<1x128xi32, #tpu.memory_space<vmem>> -> memref<128xi32, #tpu.memory_space<vmem>>
      %dma_start3A_164 = arith.constant 0 : i32
      %dma_start3A_165 = arith.constant 0 : i32
      %dma_start3A_166 = tpu.memref_slice %arg2[%dma_start3A_164, %dma_start3A_165] : memref<10000x64xf32, #tpu.memory_space<hbm>> -> memref<10000x64xf32, #tpu.memory_space<hbm>>
      tpu.enqueue_indirect_dma source(%dma_start3A_166 : memref<10000x64xf32, #tpu.memory_space<hbm>>) target(%dma_start3A_160 : memref<128x64xf32, #tpu.memory_space<vmem>>) offsets(%dma_start3A_163 : memref<128xi32, #tpu.memory_space<vmem>>) semaphore(%arg13 : memref<!tpu.dma_semaphore, #tpu.memory_space<semaphore_mem>>)
      %dma_start3A_167 = arith.constant 2 : i32
      %dma_start3A_168 = arith.constant 0 : i32
      %dma_start3A_169 = arith.constant 0 : i32
      %dma_start3A_170 = tpu.memref_slice %arg10[%dma_start3A_167, %dma_start3A_168, %dma_start3A_169] : memref<4x128x64xf32, #tpu.memory_space<vmem>> -> memref<1x128x64xf32, #tpu.memory_space<vmem>>
      %dma_start3A_171 = tpu.memref_squeeze %dma_start3A_170 : memref<1x128x64xf32, #tpu.memory_space<vmem>> -> memref<128x64xf32, #tpu.memory_space<vmem>>
      %dma_start3A_172 = arith.constant 0 : i32
      %dma_start3A_173 = tpu.memref_slice %arg8[%add3A_155, %dma_start3A_172] : memref<40x128xi32, #tpu.memory_space<vmem>> -> memref<1x128xi32, #tpu.memory_space<vmem>>
      %dma_start3A_174 = tpu.memref_squeeze %dma_start3A_173 : memref<1x128xi32, #tpu.memory_space<vmem>> -> memref<128xi32, #tpu.memory_space<vmem>>
      %dma_start3A_175 = arith.constant 0 : i32
      %dma_start3A_176 = arith.constant 0 : i32
      %dma_start3A_177 = tpu.memref_slice %arg3[%dma_start3A_175, %dma_start3A_176] : memref<10000x64xf32, #tpu.memory_space<hbm>> -> memref<10000x64xf32, #tpu.memory_space<hbm>>
      tpu.enqueue_indirect_dma source(%dma_start3A_177 : memref<10000x64xf32, #tpu.memory_space<hbm>>) target(%dma_start3A_171 : memref<128x64xf32, #tpu.memory_space<vmem>>) offsets(%dma_start3A_174 : memref<128xi32, #tpu.memory_space<vmem>>) semaphore(%arg13 : memref<!tpu.dma_semaphore, #tpu.memory_space<semaphore_mem>>)
      %mul3A_178 = arith.constant 4 : i32
      %mul3A_179 = arith.muli %scan3A_35, %mul3A_178 : i32
      %add3A_180 = arith.constant 3 : i32
      %add3A_181 = arith.addi %mul3A_179, %add3A_180 : i32
      %dma_start3A_182 = arith.constant 3 : i32
      %dma_start3A_183 = arith.constant 0 : i32
      %dma_start3A_184 = arith.constant 0 : i32
      %dma_start3A_185 = tpu.memref_slice %arg9[%dma_start3A_182, %dma_start3A_183, %dma_start3A_184] : memref<4x128x64xf32, #tpu.memory_space<vmem>> -> memref<1x128x64xf32, #tpu.memory_space<vmem>>
      %dma_start3A_186 = tpu.memref_squeeze %dma_start3A_185 : memref<1x128x64xf32, #tpu.memory_space<vmem>> -> memref<128x64xf32, #tpu.memory_space<vmem>>
      %dma_start3A_187 = arith.constant 0 : i32
      %dma_start3A_188 = tpu.memref_slice %arg7[%add3A_181, %dma_start3A_187] : memref<40x128xi32, #tpu.memory_space<vmem>> -> memref<1x128xi32, #tpu.memory_space<vmem>>
      %dma_start3A_189 = tpu.memref_squeeze %dma_start3A_188 : memref<1x128xi32, #tpu.memory_space<vmem>> -> memref<128xi32, #tpu.memory_space<vmem>>
      %dma_start3A_190 = arith.constant 0 : i32
      %dma_start3A_191 = arith.constant 0 : i32
      %dma_start3A_192 = tpu.memref_slice %arg2[%dma_start3A_190, %dma_start3A_191] : memref<10000x64xf32, #tpu.memory_space<hbm>> -> memref<10000x64xf32, #tpu.memory_space<hbm>>
      tpu.enqueue_indirect_dma source(%dma_start3A_192 : memref<10000x64xf32, #tpu.memory_space<hbm>>) target(%dma_start3A_186 : memref<128x64xf32, #tpu.memory_space<vmem>>) offsets(%dma_start3A_189 : memref<128xi32, #tpu.memory_space<vmem>>) semaphore(%arg14 : memref<!tpu.dma_semaphore, #tpu.memory_space<semaphore_mem>>)
      %dma_start3A_193 = arith.constant 3 : i32
      %dma_start3A_194 = arith.constant 0 : i32
      %dma_start3A_195 = arith.constant 0 : i32
      %dma_start3A_196 = tpu.memref_slice %arg10[%dma_start3A_193, %dma_start3A_194, %dma_start3A_195] : memref<4x128x64xf32, #tpu.memory_space<vmem>> -> memref<1x128x64xf32, #tpu.memory_space<vmem>>
      %dma_start3A_197 = tpu.memref_squeeze %dma_start3A_196 : memref<1x128x64xf32, #tpu.memory_space<vmem>> -> memref<128x64xf32, #tpu.memory_space<vmem>>
      %dma_start3A_198 = arith.constant 0 : i32
      %dma_start3A_199 = tpu.memref_slice %arg8[%add3A_181, %dma_start3A_198] : memref<40x128xi32, #tpu.memory_space<vmem>> -> memref<1x128xi32, #tpu.memory_space<vmem>>
      %dma_start3A_200 = tpu.memref_squeeze %dma_start3A_199 : memref<1x128xi32, #tpu.memory_space<vmem>> -> memref<128xi32, #tpu.memory_space<vmem>>
      %dma_start3A_201 = arith.constant 0 : i32
      %dma_start3A_202 = arith.constant 0 : i32
      %dma_start3A_203 = tpu.memref_slice %arg3[%dma_start3A_201, %dma_start3A_202] : memref<10000x64xf32, #tpu.memory_space<hbm>> -> memref<10000x64xf32, #tpu.memory_space<hbm>>
      tpu.enqueue_indirect_dma source(%dma_start3A_203 : memref<10000x64xf32, #tpu.memory_space<hbm>>) target(%dma_start3A_197 : memref<128x64xf32, #tpu.memory_space<vmem>>) offsets(%dma_start3A_200 : memref<128xi32, #tpu.memory_space<vmem>>) semaphore(%arg14 : memref<!tpu.dma_semaphore, #tpu.memory_space<semaphore_mem>>)
      %mul3A_204 = arith.constant 4 : i32
      %mul3A_205 = arith.muli %scan3A_35, %mul3A_204 : i32
      %add3A_206 = arith.constant 0 : i32
      %add3A_207 = arith.addi %mul3A_205, %add3A_206 : i32
      %dma_wait3A = arith.constant 0 : i32
      %dma_wait3A_208 = arith.constant 0 : i32
      %dma_wait3A_209 = arith.constant 0 : i32
      %dma_wait3A_210 = tpu.memref_slice %arg9[%dma_wait3A, %dma_wait3A_208, %dma_wait3A_209] : memref<4x128x64xf32, #tpu.memory_space<vmem>> -> memref<1x128x64xf32, #tpu.memory_space<vmem>>
      %dma_wait3A_211 = tpu.memref_squeeze %dma_wait3A_210 : memref<1x128x64xf32, #tpu.memory_space<vmem>> -> memref<128x64xf32, #tpu.memory_space<vmem>>
      %dma_wait3A_212 = arith.constant 0 : i32
      %dma_wait3A_213 = tpu.memref_slice %arg7[%add3A_207, %dma_wait3A_212] : memref<40x128xi32, #tpu.memory_space<vmem>> -> memref<1x128xi32, #tpu.memory_space<vmem>>
      %dma_wait3A_214 = tpu.memref_squeeze %dma_wait3A_213 : memref<1x128xi32, #tpu.memory_space<vmem>> -> memref<128xi32, #tpu.memory_space<vmem>>
      %dma_wait3A_215 = arith.constant 0 : i32
      %dma_wait3A_216 = arith.constant 0 : i32
      %dma_wait3A_217 = tpu.memref_slice %arg2[%dma_wait3A_215, %dma_wait3A_216] : memref<10000x64xf32, #tpu.memory_space<hbm>> -> memref<10000x64xf32, #tpu.memory_space<hbm>>
      tpu.wait_indirect_dma semaphore(%arg11 : memref<!tpu.dma_semaphore, #tpu.memory_space<semaphore_mem>>) src(%dma_wait3A_217 : memref<10000x64xf32, #tpu.memory_space<hbm>>) dst(%dma_wait3A_211 : memref<128x64xf32, #tpu.memory_space<vmem>>)
      %dma_wait3A_218 = arith.constant 0 : i32
      %dma_wait3A_219 = arith.constant 0 : i32
      %dma_wait3A_220 = arith.constant 0 : i32
      %dma_wait3A_221 = tpu.memref_slice %arg10[%dma_wait3A_218, %dma_wait3A_219, %dma_wait3A_220] : memref<4x128x64xf32, #tpu.memory_space<vmem>> -> memref<1x128x64xf32, #tpu.memory_space<vmem>>
      %dma_wait3A_222 = tpu.memref_squeeze %dma_wait3A_221 : memref<1x128x64xf32, #tpu.memory_space<vmem>> -> memref<128x64xf32, #tpu.memory_space<vmem>>
      %dma_wait3A_223 = arith.constant 0 : i32
      %dma_wait3A_224 = tpu.memref_slice %arg8[%add3A_207, %dma_wait3A_223] : memref<40x128xi32, #tpu.memory_space<vmem>> -> memref<1x128xi32, #tpu.memory_space<vmem>>
      %dma_wait3A_225 = tpu.memref_squeeze %dma_wait3A_224 : memref<1x128xi32, #tpu.memory_space<vmem>> -> memref<128xi32, #tpu.memory_space<vmem>>
      %dma_wait3A_226 = arith.constant 0 : i32
      %dma_wait3A_227 = arith.constant 0 : i32
      %dma_wait3A_228 = tpu.memref_slice %arg3[%dma_wait3A_226, %dma_wait3A_227] : memref<10000x64xf32, #tpu.memory_space<hbm>> -> memref<10000x64xf32, #tpu.memory_space<hbm>>
      tpu.wait_indirect_dma semaphore(%arg11 : memref<!tpu.dma_semaphore, #tpu.memory_space<semaphore_mem>>) src(%dma_wait3A_228 : memref<10000x64xf32, #tpu.memory_space<hbm>>) dst(%dma_wait3A_222 : memref<128x64xf32, #tpu.memory_space<vmem>>)
      %mul3A_229 = arith.constant 128 : i32
      %mul3A_230 = arith.muli %add3A_207, %mul3A_229 : i32
      %add3A_231 = arith.addi %mul3A_2, %mul3A_230 : i32
      %lt3A_232 = arith.constant 160000 : i32
      %lt3A_233 = arith.cmpi slt, %add3A_231, %lt3A_232 : i32
      %convert_element_type3A_234 = arith.extui %lt3A_233 : i1 to i32
      %cond3A_235 = arith.constant 0 : i32
      %cond3A_236 = arith.cmpi ne, %convert_element_type3A_234, %cond3A_235 : i32
      scf.if %cond3A_236 {
        %mul3A_339 = arith.constant 128 : i32
        %mul3A_340 = arith.muli %add3A_207, %mul3A_339 : i32
        %add3A_341 = arith.addi %mul3A_2, %mul3A_340 : i32
        %dma_start3A_342 = arith.constant 0 : i32
        %dma_start3A_343 = arith.constant 0 : i32
        %dma_start3A_344 = arith.constant 0 : i32
        %dma_start3A_345 = tpu.memref_slice %arg9[%dma_start3A_342, %dma_start3A_343, %dma_start3A_344] : memref<4x128x64xf32, #tpu.memory_space<vmem>> -> memref<1x128x64xf32, #tpu.memory_space<vmem>>
        %dma_start3A_346 = tpu.memref_squeeze %dma_start3A_345 : memref<1x128x64xf32, #tpu.memory_space<vmem>> -> memref<128x64xf32, #tpu.memory_space<vmem>>
        %dma_start3A_347 = arith.constant 0 : i32
        %dma_start3A_348 = tpu.memref_slice %arg6[%add3A_341, %dma_start3A_347] : memref<160000x128xf32, #tpu.memory_space<hbm>> -> memref<128x64xf32, #tpu.memory_space<hbm>>
        %dma_start3A_349 = arith.constant 0 : i32
        %dma_start3A_350 = tpu.memref_slice %arg6[%add3A_341, %dma_start3A_349] : memref<160000x128xf32, #tpu.memory_space<hbm>> -> memref<128x64xf32, #tpu.memory_space<hbm>>
        %dma_start3A_351 = arith.constant 0 : i32
        %dma_start3A_352 = arith.constant 0 : i32
        %dma_start3A_353 = tpu.memref_slice %arg9[%dma_start3A_342, %dma_start3A_351, %dma_start3A_352] : memref<4x128x64xf32, #tpu.memory_space<vmem>> -> memref<1x128x64xf32, #tpu.memory_space<vmem>>
        %dma_start3A_354 = tpu.memref_squeeze %dma_start3A_353 : memref<1x128x64xf32, #tpu.memory_space<vmem>> -> memref<128x64xf32, #tpu.memory_space<vmem>>
        tpu.enqueue_dma source(%dma_start3A_354 : memref<128x64xf32, #tpu.memory_space<vmem>>) target(%dma_start3A_350 : memref<128x64xf32, #tpu.memory_space<hbm>>) target_semaphore(%arg15 : memref<!tpu.dma_semaphore, #tpu.memory_space<semaphore_mem>>)
        %dma_start3A_355 = arith.constant 0 : i32
        %dma_start3A_356 = arith.constant 0 : i32
        %dma_start3A_357 = arith.constant 0 : i32
        %dma_start3A_358 = tpu.memref_slice %arg10[%dma_start3A_355, %dma_start3A_356, %dma_start3A_357] : memref<4x128x64xf32, #tpu.memory_space<vmem>> -> memref<1x128x64xf32, #tpu.memory_space<vmem>>
        %dma_start3A_359 = tpu.memref_squeeze %dma_start3A_358 : memref<1x128x64xf32, #tpu.memory_space<vmem>> -> memref<128x64xf32, #tpu.memory_space<vmem>>
        %dma_start3A_360 = arith.constant 64 : i32
        %dma_start3A_361 = tpu.memref_slice %arg6[%add3A_341, %dma_start3A_360] : memref<160000x128xf32, #tpu.memory_space<hbm>> -> memref<128x64xf32, #tpu.memory_space<hbm>>
        %dma_start3A_362 = arith.constant 64 : i32
        %dma_start3A_363 = tpu.memref_slice %arg6[%add3A_341, %dma_start3A_362] : memref<160000x128xf32, #tpu.memory_space<hbm>> -> memref<128x64xf32, #tpu.memory_space<hbm>>
        %dma_start3A_364 = arith.constant 0 : i32
        %dma_start3A_365 = arith.constant 0 : i32
        %dma_start3A_366 = tpu.memref_slice %arg10[%dma_start3A_355, %dma_start3A_364, %dma_start3A_365] : memref<4x128x64xf32, #tpu.memory_space<vmem>> -> memref<1x128x64xf32, #tpu.memory_space<vmem>>
        %dma_start3A_367 = tpu.memref_squeeze %dma_start3A_366 : memref<1x128x64xf32, #tpu.memory_space<vmem>> -> memref<128x64xf32, #tpu.memory_space<vmem>>
        tpu.enqueue_dma source(%dma_start3A_367 : memref<128x64xf32, #tpu.memory_space<vmem>>) target(%dma_start3A_363 : memref<128x64xf32, #tpu.memory_space<hbm>>) target_semaphore(%arg15 : memref<!tpu.dma_semaphore, #tpu.memory_space<semaphore_mem>>)
      } else {
      }
      %mul3A_237 = arith.constant 4 : i32
      %mul3A_238 = arith.muli %scan3A_35, %mul3A_237 : i32
      %add3A_239 = arith.constant 1 : i32
      %add3A_240 = arith.addi %mul3A_238, %add3A_239 : i32
      %dma_wait3A_241 = arith.constant 1 : i32
      %dma_wait3A_242 = arith.constant 0 : i32
      %dma_wait3A_243 = arith.constant 0 : i32
      %dma_wait3A_244 = tpu.memref_slice %arg9[%dma_wait3A_241, %dma_wait3A_242, %dma_wait3A_243] : memref<4x128x64xf32, #tpu.memory_space<vmem>> -> memref<1x128x64xf32, #tpu.memory_space<vmem>>
      %dma_wait3A_245 = tpu.memref_squeeze %dma_wait3A_244 : memref<1x128x64xf32, #tpu.memory_space<vmem>> -> memref<128x64xf32, #tpu.memory_space<vmem>>
      %dma_wait3A_246 = arith.constant 0 : i32
      %dma_wait3A_247 = tpu.memref_slice %arg7[%add3A_240, %dma_wait3A_246] : memref<40x128xi32, #tpu.memory_space<vmem>> -> memref<1x128xi32, #tpu.memory_space<vmem>>
      %dma_wait3A_248 = tpu.memref_squeeze %dma_wait3A_247 : memref<1x128xi32, #tpu.memory_space<vmem>> -> memref<128xi32, #tpu.memory_space<vmem>>
      %dma_wait3A_249 = arith.constant 0 : i32
      %dma_wait3A_250 = arith.constant 0 : i32
      %dma_wait3A_251 = tpu.memref_slice %arg2[%dma_wait3A_249, %dma_wait3A_250] : memref<10000x64xf32, #tpu.memory_space<hbm>> -> memref<10000x64xf32, #tpu.memory_space<hbm>>
      tpu.wait_indirect_dma semaphore(%arg12 : memref<!tpu.dma_semaphore, #tpu.memory_space<semaphore_mem>>) src(%dma_wait3A_251 : memref<10000x64xf32, #tpu.memory_space<hbm>>) dst(%dma_wait3A_245 : memref<128x64xf32, #tpu.memory_space<vmem>>)
      %dma_wait3A_252 = arith.constant 1 : i32
      %dma_wait3A_253 = arith.constant 0 : i32
      %dma_wait3A_254 = arith.constant 0 : i32
      %dma_wait3A_255 = tpu.memref_slice %arg10[%dma_wait3A_252, %dma_wait3A_253, %dma_wait3A_254] : memref<4x128x64xf32, #tpu.memory_space<vmem>> -> memref<1x128x64xf32, #tpu.memory_space<vmem>>
      %dma_wait3A_256 = tpu.memref_squeeze %dma_wait3A_255 : memref<1x128x64xf32, #tpu.memory_space<vmem>> -> memref<128x64xf32, #tpu.memory_space<vmem>>
      %dma_wait3A_257 = arith.constant 0 : i32
      %dma_wait3A_258 = tpu.memref_slice %arg8[%add3A_240, %dma_wait3A_257] : memref<40x128xi32, #tpu.memory_space<vmem>> -> memref<1x128xi32, #tpu.memory_space<vmem>>
      %dma_wait3A_259 = tpu.memref_squeeze %dma_wait3A_258 : memref<1x128xi32, #tpu.memory_space<vmem>> -> memref<128xi32, #tpu.memory_space<vmem>>
      %dma_wait3A_260 = arith.constant 0 : i32
      %dma_wait3A_261 = arith.constant 0 : i32
      %dma_wait3A_262 = tpu.memref_slice %arg3[%dma_wait3A_260, %dma_wait3A_261] : memref<10000x64xf32, #tpu.memory_space<hbm>> -> memref<10000x64xf32, #tpu.memory_space<hbm>>
      tpu.wait_indirect_dma semaphore(%arg12 : memref<!tpu.dma_semaphore, #tpu.memory_space<semaphore_mem>>) src(%dma_wait3A_262 : memref<10000x64xf32, #tpu.memory_space<hbm>>) dst(%dma_wait3A_256 : memref<128x64xf32, #tpu.memory_space<vmem>>)
      %mul3A_263 = arith.constant 128 : i32
      %mul3A_264 = arith.muli %add3A_240, %mul3A_263 : i32
      %add3A_265 = arith.addi %mul3A_2, %mul3A_264 : i32
      %lt3A_266 = arith.constant 160000 : i32
      %lt3A_267 = arith.cmpi slt, %add3A_265, %lt3A_266 : i32
      %convert_element_type3A_268 = arith.extui %lt3A_267 : i1 to i32
      %cond3A_269 = arith.constant 0 : i32
      %cond3A_270 = arith.cmpi ne, %convert_element_type3A_268, %cond3A_269 : i32
      scf.if %cond3A_270 {
        %mul3A_339 = arith.constant 128 : i32
        %mul3A_340 = arith.muli %add3A_240, %mul3A_339 : i32
        %add3A_341 = arith.addi %mul3A_2, %mul3A_340 : i32
        %dma_start3A_342 = arith.constant 1 : i32
        %dma_start3A_343 = arith.constant 0 : i32
        %dma_start3A_344 = arith.constant 0 : i32
        %dma_start3A_345 = tpu.memref_slice %arg9[%dma_start3A_342, %dma_start3A_343, %dma_start3A_344] : memref<4x128x64xf32, #tpu.memory_space<vmem>> -> memref<1x128x64xf32, #tpu.memory_space<vmem>>
        %dma_start3A_346 = tpu.memref_squeeze %dma_start3A_345 : memref<1x128x64xf32, #tpu.memory_space<vmem>> -> memref<128x64xf32, #tpu.memory_space<vmem>>
        %dma_start3A_347 = arith.constant 0 : i32
        %dma_start3A_348 = tpu.memref_slice %arg6[%add3A_341, %dma_start3A_347] : memref<160000x128xf32, #tpu.memory_space<hbm>> -> memref<128x64xf32, #tpu.memory_space<hbm>>
        %dma_start3A_349 = arith.constant 0 : i32
        %dma_start3A_350 = tpu.memref_slice %arg6[%add3A_341, %dma_start3A_349] : memref<160000x128xf32, #tpu.memory_space<hbm>> -> memref<128x64xf32, #tpu.memory_space<hbm>>
        %dma_start3A_351 = arith.constant 0 : i32
        %dma_start3A_352 = arith.constant 0 : i32
        %dma_start3A_353 = tpu.memref_slice %arg9[%dma_start3A_342, %dma_start3A_351, %dma_start3A_352] : memref<4x128x64xf32, #tpu.memory_space<vmem>> -> memref<1x128x64xf32, #tpu.memory_space<vmem>>
        %dma_start3A_354 = tpu.memref_squeeze %dma_start3A_353 : memref<1x128x64xf32, #tpu.memory_space<vmem>> -> memref<128x64xf32, #tpu.memory_space<vmem>>
        tpu.enqueue_dma source(%dma_start3A_354 : memref<128x64xf32, #tpu.memory_space<vmem>>) target(%dma_start3A_350 : memref<128x64xf32, #tpu.memory_space<hbm>>) target_semaphore(%arg15 : memref<!tpu.dma_semaphore, #tpu.memory_space<semaphore_mem>>)
        %dma_start3A_355 = arith.constant 1 : i32
        %dma_start3A_356 = arith.constant 0 : i32
        %dma_start3A_357 = arith.constant 0 : i32
        %dma_start3A_358 = tpu.memref_slice %arg10[%dma_start3A_355, %dma_start3A_356, %dma_start3A_357] : memref<4x128x64xf32, #tpu.memory_space<vmem>> -> memref<1x128x64xf32, #tpu.memory_space<vmem>>
        %dma_start3A_359 = tpu.memref_squeeze %dma_start3A_358 : memref<1x128x64xf32, #tpu.memory_space<vmem>> -> memref<128x64xf32, #tpu.memory_space<vmem>>
        %dma_start3A_360 = arith.constant 64 : i32
        %dma_start3A_361 = tpu.memref_slice %arg6[%add3A_341, %dma_start3A_360] : memref<160000x128xf32, #tpu.memory_space<hbm>> -> memref<128x64xf32, #tpu.memory_space<hbm>>
        %dma_start3A_362 = arith.constant 64 : i32
        %dma_start3A_363 = tpu.memref_slice %arg6[%add3A_341, %dma_start3A_362] : memref<160000x128xf32, #tpu.memory_space<hbm>> -> memref<128x64xf32, #tpu.memory_space<hbm>>
        %dma_start3A_364 = arith.constant 0 : i32
        %dma_start3A_365 = arith.constant 0 : i32
        %dma_start3A_366 = tpu.memref_slice %arg10[%dma_start3A_355, %dma_start3A_364, %dma_start3A_365] : memref<4x128x64xf32, #tpu.memory_space<vmem>> -> memref<1x128x64xf32, #tpu.memory_space<vmem>>
        %dma_start3A_367 = tpu.memref_squeeze %dma_start3A_366 : memref<1x128x64xf32, #tpu.memory_space<vmem>> -> memref<128x64xf32, #tpu.memory_space<vmem>>
        tpu.enqueue_dma source(%dma_start3A_367 : memref<128x64xf32, #tpu.memory_space<vmem>>) target(%dma_start3A_363 : memref<128x64xf32, #tpu.memory_space<hbm>>) target_semaphore(%arg15 : memref<!tpu.dma_semaphore, #tpu.memory_space<semaphore_mem>>)
      } else {
      }
      %mul3A_271 = arith.constant 4 : i32
      %mul3A_272 = arith.muli %scan3A_35, %mul3A_271 : i32
      %add3A_273 = arith.constant 2 : i32
      %add3A_274 = arith.addi %mul3A_272, %add3A_273 : i32
      %dma_wait3A_275 = arith.constant 2 : i32
      %dma_wait3A_276 = arith.constant 0 : i32
      %dma_wait3A_277 = arith.constant 0 : i32
      %dma_wait3A_278 = tpu.memref_slice %arg9[%dma_wait3A_275, %dma_wait3A_276, %dma_wait3A_277] : memref<4x128x64xf32, #tpu.memory_space<vmem>> -> memref<1x128x64xf32, #tpu.memory_space<vmem>>
      %dma_wait3A_279 = tpu.memref_squeeze %dma_wait3A_278 : memref<1x128x64xf32, #tpu.memory_space<vmem>> -> memref<128x64xf32, #tpu.memory_space<vmem>>
      %dma_wait3A_280 = arith.constant 0 : i32
      %dma_wait3A_281 = tpu.memref_slice %arg7[%add3A_274, %dma_wait3A_280] : memref<40x128xi32, #tpu.memory_space<vmem>> -> memref<1x128xi32, #tpu.memory_space<vmem>>
      %dma_wait3A_282 = tpu.memref_squeeze %dma_wait3A_281 : memref<1x128xi32, #tpu.memory_space<vmem>> -> memref<128xi32, #tpu.memory_space<vmem>>
      %dma_wait3A_283 = arith.constant 0 : i32
      %dma_wait3A_284 = arith.constant 0 : i32
      %dma_wait3A_285 = tpu.memref_slice %arg2[%dma_wait3A_283, %dma_wait3A_284] : memref<10000x64xf32, #tpu.memory_space<hbm>> -> memref<10000x64xf32, #tpu.memory_space<hbm>>
      tpu.wait_indirect_dma semaphore(%arg13 : memref<!tpu.dma_semaphore, #tpu.memory_space<semaphore_mem>>) src(%dma_wait3A_285 : memref<10000x64xf32, #tpu.memory_space<hbm>>) dst(%dma_wait3A_279 : memref<128x64xf32, #tpu.memory_space<vmem>>)
      %dma_wait3A_286 = arith.constant 2 : i32
      %dma_wait3A_287 = arith.constant 0 : i32
      %dma_wait3A_288 = arith.constant 0 : i32
      %dma_wait3A_289 = tpu.memref_slice %arg10[%dma_wait3A_286, %dma_wait3A_287, %dma_wait3A_288] : memref<4x128x64xf32, #tpu.memory_space<vmem>> -> memref<1x128x64xf32, #tpu.memory_space<vmem>>
      %dma_wait3A_290 = tpu.memref_squeeze %dma_wait3A_289 : memref<1x128x64xf32, #tpu.memory_space<vmem>> -> memref<128x64xf32, #tpu.memory_space<vmem>>
      %dma_wait3A_291 = arith.constant 0 : i32
      %dma_wait3A_292 = tpu.memref_slice %arg8[%add3A_274, %dma_wait3A_291] : memref<40x128xi32, #tpu.memory_space<vmem>> -> memref<1x128xi32, #tpu.memory_space<vmem>>
      %dma_wait3A_293 = tpu.memref_squeeze %dma_wait3A_292 : memref<1x128xi32, #tpu.memory_space<vmem>> -> memref<128xi32, #tpu.memory_space<vmem>>
      %dma_wait3A_294 = arith.constant 0 : i32
      %dma_wait3A_295 = arith.constant 0 : i32
      %dma_wait3A_296 = tpu.memref_slice %arg3[%dma_wait3A_294, %dma_wait3A_295] : memref<10000x64xf32, #tpu.memory_space<hbm>> -> memref<10000x64xf32, #tpu.memory_space<hbm>>
      tpu.wait_indirect_dma semaphore(%arg13 : memref<!tpu.dma_semaphore, #tpu.memory_space<semaphore_mem>>) src(%dma_wait3A_296 : memref<10000x64xf32, #tpu.memory_space<hbm>>) dst(%dma_wait3A_290 : memref<128x64xf32, #tpu.memory_space<vmem>>)
      %mul3A_297 = arith.constant 128 : i32
      %mul3A_298 = arith.muli %add3A_274, %mul3A_297 : i32
      %add3A_299 = arith.addi %mul3A_2, %mul3A_298 : i32
      %lt3A_300 = arith.constant 160000 : i32
      %lt3A_301 = arith.cmpi slt, %add3A_299, %lt3A_300 : i32
      %convert_element_type3A_302 = arith.extui %lt3A_301 : i1 to i32
      %cond3A_303 = arith.constant 0 : i32
      %cond3A_304 = arith.cmpi ne, %convert_element_type3A_302, %cond3A_303 : i32
      scf.if %cond3A_304 {
        %mul3A_339 = arith.constant 128 : i32
        %mul3A_340 = arith.muli %add3A_274, %mul3A_339 : i32
        %add3A_341 = arith.addi %mul3A_2, %mul3A_340 : i32
        %dma_start3A_342 = arith.constant 2 : i32
        %dma_start3A_343 = arith.constant 0 : i32
        %dma_start3A_344 = arith.constant 0 : i32
        %dma_start3A_345 = tpu.memref_slice %arg9[%dma_start3A_342, %dma_start3A_343, %dma_start3A_344] : memref<4x128x64xf32, #tpu.memory_space<vmem>> -> memref<1x128x64xf32, #tpu.memory_space<vmem>>
        %dma_start3A_346 = tpu.memref_squeeze %dma_start3A_345 : memref<1x128x64xf32, #tpu.memory_space<vmem>> -> memref<128x64xf32, #tpu.memory_space<vmem>>
        %dma_start3A_347 = arith.constant 0 : i32
        %dma_start3A_348 = tpu.memref_slice %arg6[%add3A_341, %dma_start3A_347] : memref<160000x128xf32, #tpu.memory_space<hbm>> -> memref<128x64xf32, #tpu.memory_space<hbm>>
        %dma_start3A_349 = arith.constant 0 : i32
        %dma_start3A_350 = tpu.memref_slice %arg6[%add3A_341, %dma_start3A_349] : memref<160000x128xf32, #tpu.memory_space<hbm>> -> memref<128x64xf32, #tpu.memory_space<hbm>>
        %dma_start3A_351 = arith.constant 0 : i32
        %dma_start3A_352 = arith.constant 0 : i32
        %dma_start3A_353 = tpu.memref_slice %arg9[%dma_start3A_342, %dma_start3A_351, %dma_start3A_352] : memref<4x128x64xf32, #tpu.memory_space<vmem>> -> memref<1x128x64xf32, #tpu.memory_space<vmem>>
        %dma_start3A_354 = tpu.memref_squeeze %dma_start3A_353 : memref<1x128x64xf32, #tpu.memory_space<vmem>> -> memref<128x64xf32, #tpu.memory_space<vmem>>
        tpu.enqueue_dma source(%dma_start3A_354 : memref<128x64xf32, #tpu.memory_space<vmem>>) target(%dma_start3A_350 : memref<128x64xf32, #tpu.memory_space<hbm>>) target_semaphore(%arg15 : memref<!tpu.dma_semaphore, #tpu.memory_space<semaphore_mem>>)
        %dma_start3A_355 = arith.constant 2 : i32
        %dma_start3A_356 = arith.constant 0 : i32
        %dma_start3A_357 = arith.constant 0 : i32
        %dma_start3A_358 = tpu.memref_slice %arg10[%dma_start3A_355, %dma_start3A_356, %dma_start3A_357] : memref<4x128x64xf32, #tpu.memory_space<vmem>> -> memref<1x128x64xf32, #tpu.memory_space<vmem>>
        %dma_start3A_359 = tpu.memref_squeeze %dma_start3A_358 : memref<1x128x64xf32, #tpu.memory_space<vmem>> -> memref<128x64xf32, #tpu.memory_space<vmem>>
        %dma_start3A_360 = arith.constant 64 : i32
        %dma_start3A_361 = tpu.memref_slice %arg6[%add3A_341, %dma_start3A_360] : memref<160000x128xf32, #tpu.memory_space<hbm>> -> memref<128x64xf32, #tpu.memory_space<hbm>>
        %dma_start3A_362 = arith.constant 64 : i32
        %dma_start3A_363 = tpu.memref_slice %arg6[%add3A_341, %dma_start3A_362] : memref<160000x128xf32, #tpu.memory_space<hbm>> -> memref<128x64xf32, #tpu.memory_space<hbm>>
        %dma_start3A_364 = arith.constant 0 : i32
        %dma_start3A_365 = arith.constant 0 : i32
        %dma_start3A_366 = tpu.memref_slice %arg10[%dma_start3A_355, %dma_start3A_364, %dma_start3A_365] : memref<4x128x64xf32, #tpu.memory_space<vmem>> -> memref<1x128x64xf32, #tpu.memory_space<vmem>>
        %dma_start3A_367 = tpu.memref_squeeze %dma_start3A_366 : memref<1x128x64xf32, #tpu.memory_space<vmem>> -> memref<128x64xf32, #tpu.memory_space<vmem>>
        tpu.enqueue_dma source(%dma_start3A_367 : memref<128x64xf32, #tpu.memory_space<vmem>>) target(%dma_start3A_363 : memref<128x64xf32, #tpu.memory_space<hbm>>) target_semaphore(%arg15 : memref<!tpu.dma_semaphore, #tpu.memory_space<semaphore_mem>>)
      } else {
      }
      %mul3A_305 = arith.constant 4 : i32
      %mul3A_306 = arith.muli %scan3A_35, %mul3A_305 : i32
      %add3A_307 = arith.constant 3 : i32
      %add3A_308 = arith.addi %mul3A_306, %add3A_307 : i32
      %dma_wait3A_309 = arith.constant 3 : i32
      %dma_wait3A_310 = arith.constant 0 : i32
      %dma_wait3A_311 = arith.constant 0 : i32
      %dma_wait3A_312 = tpu.memref_slice %arg9[%dma_wait3A_309, %dma_wait3A_310, %dma_wait3A_311] : memref<4x128x64xf32, #tpu.memory_space<vmem>> -> memref<1x128x64xf32, #tpu.memory_space<vmem>>
      %dma_wait3A_313 = tpu.memref_squeeze %dma_wait3A_312 : memref<1x128x64xf32, #tpu.memory_space<vmem>> -> memref<128x64xf32, #tpu.memory_space<vmem>>
      %dma_wait3A_314 = arith.constant 0 : i32
      %dma_wait3A_315 = tpu.memref_slice %arg7[%add3A_308, %dma_wait3A_314] : memref<40x128xi32, #tpu.memory_space<vmem>> -> memref<1x128xi32, #tpu.memory_space<vmem>>
      %dma_wait3A_316 = tpu.memref_squeeze %dma_wait3A_315 : memref<1x128xi32, #tpu.memory_space<vmem>> -> memref<128xi32, #tpu.memory_space<vmem>>
      %dma_wait3A_317 = arith.constant 0 : i32
      %dma_wait3A_318 = arith.constant 0 : i32
      %dma_wait3A_319 = tpu.memref_slice %arg2[%dma_wait3A_317, %dma_wait3A_318] : memref<10000x64xf32, #tpu.memory_space<hbm>> -> memref<10000x64xf32, #tpu.memory_space<hbm>>
      tpu.wait_indirect_dma semaphore(%arg14 : memref<!tpu.dma_semaphore, #tpu.memory_space<semaphore_mem>>) src(%dma_wait3A_319 : memref<10000x64xf32, #tpu.memory_space<hbm>>) dst(%dma_wait3A_313 : memref<128x64xf32, #tpu.memory_space<vmem>>)
      %dma_wait3A_320 = arith.constant 3 : i32
      %dma_wait3A_321 = arith.constant 0 : i32
      %dma_wait3A_322 = arith.constant 0 : i32
      %dma_wait3A_323 = tpu.memref_slice %arg10[%dma_wait3A_320, %dma_wait3A_321, %dma_wait3A_322] : memref<4x128x64xf32, #tpu.memory_space<vmem>> -> memref<1x128x64xf32, #tpu.memory_space<vmem>>
      %dma_wait3A_324 = tpu.memref_squeeze %dma_wait3A_323 : memref<1x128x64xf32, #tpu.memory_space<vmem>> -> memref<128x64xf32, #tpu.memory_space<vmem>>
      %dma_wait3A_325 = arith.constant 0 : i32
      %dma_wait3A_326 = tpu.memref_slice %arg8[%add3A_308, %dma_wait3A_325] : memref<40x128xi32, #tpu.memory_space<vmem>> -> memref<1x128xi32, #tpu.memory_space<vmem>>
      %dma_wait3A_327 = tpu.memref_squeeze %dma_wait3A_326 : memref<1x128xi32, #tpu.memory_space<vmem>> -> memref<128xi32, #tpu.memory_space<vmem>>
      %dma_wait3A_328 = arith.constant 0 : i32
      %dma_wait3A_329 = arith.constant 0 : i32
      %dma_wait3A_330 = tpu.memref_slice %arg3[%dma_wait3A_328, %dma_wait3A_329] : memref<10000x64xf32, #tpu.memory_space<hbm>> -> memref<10000x64xf32, #tpu.memory_space<hbm>>
      tpu.wait_indirect_dma semaphore(%arg14 : memref<!tpu.dma_semaphore, #tpu.memory_space<semaphore_mem>>) src(%dma_wait3A_330 : memref<10000x64xf32, #tpu.memory_space<hbm>>) dst(%dma_wait3A_324 : memref<128x64xf32, #tpu.memory_space<vmem>>)
      %mul3A_331 = arith.constant 128 : i32
      %mul3A_332 = arith.muli %add3A_308, %mul3A_331 : i32
      %add3A_333 = arith.addi %mul3A_2, %mul3A_332 : i32
      %lt3A_334 = arith.constant 160000 : i32
      %lt3A_335 = arith.cmpi slt, %add3A_333, %lt3A_334 : i32
      %convert_element_type3A_336 = arith.extui %lt3A_335 : i1 to i32
      %cond3A_337 = arith.constant 0 : i32
      %cond3A_338 = arith.cmpi ne, %convert_element_type3A_336, %cond3A_337 : i32
      scf.if %cond3A_338 {
        %mul3A_339 = arith.constant 128 : i32
        %mul3A_340 = arith.muli %add3A_308, %mul3A_339 : i32
        %add3A_341 = arith.addi %mul3A_2, %mul3A_340 : i32
        %dma_start3A_342 = arith.constant 3 : i32
        %dma_start3A_343 = arith.constant 0 : i32
        %dma_start3A_344 = arith.constant 0 : i32
        %dma_start3A_345 = tpu.memref_slice %arg9[%dma_start3A_342, %dma_start3A_343, %dma_start3A_344] : memref<4x128x64xf32, #tpu.memory_space<vmem>> -> memref<1x128x64xf32, #tpu.memory_space<vmem>>
        %dma_start3A_346 = tpu.memref_squeeze %dma_start3A_345 : memref<1x128x64xf32, #tpu.memory_space<vmem>> -> memref<128x64xf32, #tpu.memory_space<vmem>>
        %dma_start3A_347 = arith.constant 0 : i32
        %dma_start3A_348 = tpu.memref_slice %arg6[%add3A_341, %dma_start3A_347] : memref<160000x128xf32, #tpu.memory_space<hbm>> -> memref<128x64xf32, #tpu.memory_space<hbm>>
        %dma_start3A_349 = arith.constant 0 : i32
        %dma_start3A_350 = tpu.memref_slice %arg6[%add3A_341, %dma_start3A_349] : memref<160000x128xf32, #tpu.memory_space<hbm>> -> memref<128x64xf32, #tpu.memory_space<hbm>>
        %dma_start3A_351 = arith.constant 0 : i32
        %dma_start3A_352 = arith.constant 0 : i32
        %dma_start3A_353 = tpu.memref_slice %arg9[%dma_start3A_342, %dma_start3A_351, %dma_start3A_352] : memref<4x128x64xf32, #tpu.memory_space<vmem>> -> memref<1x128x64xf32, #tpu.memory_space<vmem>>
        %dma_start3A_354 = tpu.memref_squeeze %dma_start3A_353 : memref<1x128x64xf32, #tpu.memory_space<vmem>> -> memref<128x64xf32, #tpu.memory_space<vmem>>
        tpu.enqueue_dma source(%dma_start3A_354 : memref<128x64xf32, #tpu.memory_space<vmem>>) target(%dma_start3A_350 : memref<128x64xf32, #tpu.memory_space<hbm>>) target_semaphore(%arg15 : memref<!tpu.dma_semaphore, #tpu.memory_space<semaphore_mem>>)
        %dma_start3A_355 = arith.constant 3 : i32
        %dma_start3A_356 = arith.constant 0 : i32
        %dma_start3A_357 = arith.constant 0 : i32
        %dma_start3A_358 = tpu.memref_slice %arg10[%dma_start3A_355, %dma_start3A_356, %dma_start3A_357] : memref<4x128x64xf32, #tpu.memory_space<vmem>> -> memref<1x128x64xf32, #tpu.memory_space<vmem>>
        %dma_start3A_359 = tpu.memref_squeeze %dma_start3A_358 : memref<1x128x64xf32, #tpu.memory_space<vmem>> -> memref<128x64xf32, #tpu.memory_space<vmem>>
        %dma_start3A_360 = arith.constant 64 : i32
        %dma_start3A_361 = tpu.memref_slice %arg6[%add3A_341, %dma_start3A_360] : memref<160000x128xf32, #tpu.memory_space<hbm>> -> memref<128x64xf32, #tpu.memory_space<hbm>>
        %dma_start3A_362 = arith.constant 64 : i32
        %dma_start3A_363 = tpu.memref_slice %arg6[%add3A_341, %dma_start3A_362] : memref<160000x128xf32, #tpu.memory_space<hbm>> -> memref<128x64xf32, #tpu.memory_space<hbm>>
        %dma_start3A_364 = arith.constant 0 : i32
        %dma_start3A_365 = arith.constant 0 : i32
        %dma_start3A_366 = tpu.memref_slice %arg10[%dma_start3A_355, %dma_start3A_364, %dma_start3A_365] : memref<4x128x64xf32, #tpu.memory_space<vmem>> -> memref<1x128x64xf32, #tpu.memory_space<vmem>>
        %dma_start3A_367 = tpu.memref_squeeze %dma_start3A_366 : memref<1x128x64xf32, #tpu.memory_space<vmem>> -> memref<128x64xf32, #tpu.memory_space<vmem>>
        tpu.enqueue_dma source(%dma_start3A_367 : memref<128x64xf32, #tpu.memory_space<vmem>>) target(%dma_start3A_363 : memref<128x64xf32, #tpu.memory_space<hbm>>) target_semaphore(%arg15 : memref<!tpu.dma_semaphore, #tpu.memory_space<semaphore_mem>>)
      } else {
      }
    }
    %scan3A_9 = arith.constant 10 : i32
    %add3A_10 = arith.constant 4608 : i32
    %add3A_11 = arith.addi %mul3A_2, %add3A_10 : i32
    %lt3A = arith.constant 160000 : i32
    %lt3A_12 = arith.cmpi slt, %add3A_11, %lt3A : i32
    %convert_element_type3A = arith.extui %lt3A_12 : i1 to i32
    %cond3A = arith.constant 0 : i32
    %cond3A_13 = arith.cmpi ne, %convert_element_type3A, %cond3A : i32
    scf.if %cond3A_13 {
      %add3A_35 = arith.constant 4608 : i32
      %add3A_36 = arith.addi %mul3A_2, %add3A_35 : i32
      %dma_wait3A = arith.constant 0 : i32
      %dma_wait3A_37 = arith.constant 0 : i32
      %dma_wait3A_38 = arith.constant 0 : i32
      %dma_wait3A_39 = tpu.memref_slice %arg9[%dma_wait3A, %dma_wait3A_37, %dma_wait3A_38] : memref<4x128x64xf32, #tpu.memory_space<vmem>> -> memref<1x128x64xf32, #tpu.memory_space<vmem>>
      %dma_wait3A_40 = tpu.memref_squeeze %dma_wait3A_39 : memref<1x128x64xf32, #tpu.memory_space<vmem>> -> memref<128x64xf32, #tpu.memory_space<vmem>>
      %dma_wait3A_41 = arith.constant 0 : i32
      %dma_wait3A_42 = tpu.memref_slice %arg6[%add3A_36, %dma_wait3A_41] : memref<160000x128xf32, #tpu.memory_space<hbm>> -> memref<128x64xf32, #tpu.memory_space<hbm>>
      %dma_wait3A_43 = arith.constant 0 : i32
      %dma_wait3A_44 = tpu.memref_slice %arg6[%add3A_36, %dma_wait3A_43] : memref<160000x128xf32, #tpu.memory_space<hbm>> -> memref<128x64xf32, #tpu.memory_space<hbm>>
      %dma_wait3A_45 = arith.constant 0 : i32
      %dma_wait3A_46 = arith.constant 0 : i32
      %dma_wait3A_47 = tpu.memref_slice %arg9[%dma_wait3A, %dma_wait3A_45, %dma_wait3A_46] : memref<4x128x64xf32, #tpu.memory_space<vmem>> -> memref<1x128x64xf32, #tpu.memory_space<vmem>>
      %dma_wait3A_48 = tpu.memref_squeeze %dma_wait3A_47 : memref<1x128x64xf32, #tpu.memory_space<vmem>> -> memref<128x64xf32, #tpu.memory_space<vmem>>
      tpu.wait_dma2 semaphore(%arg15 : memref<!tpu.dma_semaphore, #tpu.memory_space<semaphore_mem>>) src(%dma_wait3A_48 : memref<128x64xf32, #tpu.memory_space<vmem>>) dst(%dma_wait3A_44 : memref<128x64xf32, #tpu.memory_space<hbm>>)
      %dma_wait3A_49 = arith.constant 0 : i32
      %dma_wait3A_50 = arith.constant 0 : i32
      %dma_wait3A_51 = arith.constant 0 : i32
      %dma_wait3A_52 = tpu.memref_slice %arg10[%dma_wait3A_49, %dma_wait3A_50, %dma_wait3A_51] : memref<4x128x64xf32, #tpu.memory_space<vmem>> -> memref<1x128x64xf32, #tpu.memory_space<vmem>>
      %dma_wait3A_53 = tpu.memref_squeeze %dma_wait3A_52 : memref<1x128x64xf32, #tpu.memory_space<vmem>> -> memref<128x64xf32, #tpu.memory_space<vmem>>
      %dma_wait3A_54 = arith.constant 64 : i32
      %dma_wait3A_55 = tpu.memref_slice %arg6[%add3A_36, %dma_wait3A_54] : memref<160000x128xf32, #tpu.memory_space<hbm>> -> memref<128x64xf32, #tpu.memory_space<hbm>>
      %dma_wait3A_56 = arith.constant 64 : i32
      %dma_wait3A_57 = tpu.memref_slice %arg6[%add3A_36, %dma_wait3A_56] : memref<160000x128xf32, #tpu.memory_space<hbm>> -> memref<128x64xf32, #tpu.memory_space<hbm>>
      %dma_wait3A_58 = arith.constant 0 : i32
      %dma_wait3A_59 = arith.constant 0 : i32
      %dma_wait3A_60 = tpu.memref_slice %arg10[%dma_wait3A_49, %dma_wait3A_58, %dma_wait3A_59] : memref<4x128x64xf32, #tpu.memory_space<vmem>> -> memref<1x128x64xf32, #tpu.memory_space<vmem>>
      %dma_wait3A_61 = tpu.memref_squeeze %dma_wait3A_60 : memref<1x128x64xf32, #tpu.memory_space<vmem>> -> memref<128x64xf32, #tpu.memory_space<vmem>>
      tpu.wait_dma2 semaphore(%arg15 : memref<!tpu.dma_semaphore, #tpu.memory_space<semaphore_mem>>) src(%dma_wait3A_61 : memref<128x64xf32, #tpu.memory_space<vmem>>) dst(%dma_wait3A_57 : memref<128x64xf32, #tpu.memory_space<hbm>>)
    } else {
    }
    %add3A_14 = arith.constant 4736 : i32
    %add3A_15 = arith.addi %mul3A_2, %add3A_14 : i32
    %lt3A_16 = arith.constant 160000 : i32
    %lt3A_17 = arith.cmpi slt, %add3A_15, %lt3A_16 : i32
    %convert_element_type3A_18 = arith.extui %lt3A_17 : i1 to i32
    %cond3A_19 = arith.constant 0 : i32
    %cond3A_20 = arith.cmpi ne, %convert_element_type3A_18, %cond3A_19 : i32
    scf.if %cond3A_20 {
      %add3A_35 = arith.constant 4736 : i32
      %add3A_36 = arith.addi %mul3A_2, %add3A_35 : i32
      %dma_wait3A = arith.constant 1 : i32
      %dma_wait3A_37 = arith.constant 0 : i32
      %dma_wait3A_38 = arith.constant 0 : i32
      %dma_wait3A_39 = tpu.memref_slice %arg9[%dma_wait3A, %dma_wait3A_37, %dma_wait3A_38] : memref<4x128x64xf32, #tpu.memory_space<vmem>> -> memref<1x128x64xf32, #tpu.memory_space<vmem>>
      %dma_wait3A_40 = tpu.memref_squeeze %dma_wait3A_39 : memref<1x128x64xf32, #tpu.memory_space<vmem>> -> memref<128x64xf32, #tpu.memory_space<vmem>>
      %dma_wait3A_41 = arith.constant 0 : i32
      %dma_wait3A_42 = tpu.memref_slice %arg6[%add3A_36, %dma_wait3A_41] : memref<160000x128xf32, #tpu.memory_space<hbm>> -> memref<128x64xf32, #tpu.memory_space<hbm>>
      %dma_wait3A_43 = arith.constant 0 : i32
      %dma_wait3A_44 = tpu.memref_slice %arg6[%add3A_36, %dma_wait3A_43] : memref<160000x128xf32, #tpu.memory_space<hbm>> -> memref<128x64xf32, #tpu.memory_space<hbm>>
      %dma_wait3A_45 = arith.constant 0 : i32
      %dma_wait3A_46 = arith.constant 0 : i32
      %dma_wait3A_47 = tpu.memref_slice %arg9[%dma_wait3A, %dma_wait3A_45, %dma_wait3A_46] : memref<4x128x64xf32, #tpu.memory_space<vmem>> -> memref<1x128x64xf32, #tpu.memory_space<vmem>>
      %dma_wait3A_48 = tpu.memref_squeeze %dma_wait3A_47 : memref<1x128x64xf32, #tpu.memory_space<vmem>> -> memref<128x64xf32, #tpu.memory_space<vmem>>
      tpu.wait_dma2 semaphore(%arg15 : memref<!tpu.dma_semaphore, #tpu.memory_space<semaphore_mem>>) src(%dma_wait3A_48 : memref<128x64xf32, #tpu.memory_space<vmem>>) dst(%dma_wait3A_44 : memref<128x64xf32, #tpu.memory_space<hbm>>)
      %dma_wait3A_49 = arith.constant 1 : i32
      %dma_wait3A_50 = arith.constant 0 : i32
      %dma_wait3A_51 = arith.constant 0 : i32
      %dma_wait3A_52 = tpu.memref_slice %arg10[%dma_wait3A_49, %dma_wait3A_50, %dma_wait3A_51] : memref<4x128x64xf32, #tpu.memory_space<vmem>> -> memref<1x128x64xf32, #tpu.memory_space<vmem>>
      %dma_wait3A_53 = tpu.memref_squeeze %dma_wait3A_52 : memref<1x128x64xf32, #tpu.memory_space<vmem>> -> memref<128x64xf32, #tpu.memory_space<vmem>>
      %dma_wait3A_54 = arith.constant 64 : i32
      %dma_wait3A_55 = tpu.memref_slice %arg6[%add3A_36, %dma_wait3A_54] : memref<160000x128xf32, #tpu.memory_space<hbm>> -> memref<128x64xf32, #tpu.memory_space<hbm>>
      %dma_wait3A_56 = arith.constant 64 : i32
      %dma_wait3A_57 = tpu.memref_slice %arg6[%add3A_36, %dma_wait3A_56] : memref<160000x128xf32, #tpu.memory_space<hbm>> -> memref<128x64xf32, #tpu.memory_space<hbm>>
      %dma_wait3A_58 = arith.constant 0 : i32
      %dma_wait3A_59 = arith.constant 0 : i32
      %dma_wait3A_60 = tpu.memref_slice %arg10[%dma_wait3A_49, %dma_wait3A_58, %dma_wait3A_59] : memref<4x128x64xf32, #tpu.memory_space<vmem>> -> memref<1x128x64xf32, #tpu.memory_space<vmem>>
      %dma_wait3A_61 = tpu.memref_squeeze %dma_wait3A_60 : memref<1x128x64xf32, #tpu.memory_space<vmem>> -> memref<128x64xf32, #tpu.memory_space<vmem>>
      tpu.wait_dma2 semaphore(%arg15 : memref<!tpu.dma_semaphore, #tpu.memory_space<semaphore_mem>>) src(%dma_wait3A_61 : memref<128x64xf32, #tpu.memory_space<vmem>>) dst(%dma_wait3A_57 : memref<128x64xf32, #tpu.memory_space<hbm>>)
    } else {
    }
    %add3A_21 = arith.constant 4864 : i32
    %add3A_22 = arith.addi %mul3A_2, %add3A_21 : i32
    %lt3A_23 = arith.constant 160000 : i32
    %lt3A_24 = arith.cmpi slt, %add3A_22, %lt3A_23 : i32
    %convert_element_type3A_25 = arith.extui %lt3A_24 : i1 to i32
    %cond3A_26 = arith.constant 0 : i32
    %cond3A_27 = arith.cmpi ne, %convert_element_type3A_25, %cond3A_26 : i32
    scf.if %cond3A_27 {
      %add3A_35 = arith.constant 4864 : i32
      %add3A_36 = arith.addi %mul3A_2, %add3A_35 : i32
      %dma_wait3A = arith.constant 2 : i32
      %dma_wait3A_37 = arith.constant 0 : i32
      %dma_wait3A_38 = arith.constant 0 : i32
      %dma_wait3A_39 = tpu.memref_slice %arg9[%dma_wait3A, %dma_wait3A_37, %dma_wait3A_38] : memref<4x128x64xf32, #tpu.memory_space<vmem>> -> memref<1x128x64xf32, #tpu.memory_space<vmem>>
      %dma_wait3A_40 = tpu.memref_squeeze %dma_wait3A_39 : memref<1x128x64xf32, #tpu.memory_space<vmem>> -> memref<128x64xf32, #tpu.memory_space<vmem>>
      %dma_wait3A_41 = arith.constant 0 : i32
      %dma_wait3A_42 = tpu.memref_slice %arg6[%add3A_36, %dma_wait3A_41] : memref<160000x128xf32, #tpu.memory_space<hbm>> -> memref<128x64xf32, #tpu.memory_space<hbm>>
      %dma_wait3A_43 = arith.constant 0 : i32
      %dma_wait3A_44 = tpu.memref_slice %arg6[%add3A_36, %dma_wait3A_43] : memref<160000x128xf32, #tpu.memory_space<hbm>> -> memref<128x64xf32, #tpu.memory_space<hbm>>
      %dma_wait3A_45 = arith.constant 0 : i32
      %dma_wait3A_46 = arith.constant 0 : i32
      %dma_wait3A_47 = tpu.memref_slice %arg9[%dma_wait3A, %dma_wait3A_45, %dma_wait3A_46] : memref<4x128x64xf32, #tpu.memory_space<vmem>> -> memref<1x128x64xf32, #tpu.memory_space<vmem>>
      %dma_wait3A_48 = tpu.memref_squeeze %dma_wait3A_47 : memref<1x128x64xf32, #tpu.memory_space<vmem>> -> memref<128x64xf32, #tpu.memory_space<vmem>>
      tpu.wait_dma2 semaphore(%arg15 : memref<!tpu.dma_semaphore, #tpu.memory_space<semaphore_mem>>) src(%dma_wait3A_48 : memref<128x64xf32, #tpu.memory_space<vmem>>) dst(%dma_wait3A_44 : memref<128x64xf32, #tpu.memory_space<hbm>>)
      %dma_wait3A_49 = arith.constant 2 : i32
      %dma_wait3A_50 = arith.constant 0 : i32
      %dma_wait3A_51 = arith.constant 0 : i32
      %dma_wait3A_52 = tpu.memref_slice %arg10[%dma_wait3A_49, %dma_wait3A_50, %dma_wait3A_51] : memref<4x128x64xf32, #tpu.memory_space<vmem>> -> memref<1x128x64xf32, #tpu.memory_space<vmem>>
      %dma_wait3A_53 = tpu.memref_squeeze %dma_wait3A_52 : memref<1x128x64xf32, #tpu.memory_space<vmem>> -> memref<128x64xf32, #tpu.memory_space<vmem>>
      %dma_wait3A_54 = arith.constant 64 : i32
      %dma_wait3A_55 = tpu.memref_slice %arg6[%add3A_36, %dma_wait3A_54] : memref<160000x128xf32, #tpu.memory_space<hbm>> -> memref<128x64xf32, #tpu.memory_space<hbm>>
      %dma_wait3A_56 = arith.constant 64 : i32
      %dma_wait3A_57 = tpu.memref_slice %arg6[%add3A_36, %dma_wait3A_56] : memref<160000x128xf32, #tpu.memory_space<hbm>> -> memref<128x64xf32, #tpu.memory_space<hbm>>
      %dma_wait3A_58 = arith.constant 0 : i32
      %dma_wait3A_59 = arith.constant 0 : i32
      %dma_wait3A_60 = tpu.memref_slice %arg10[%dma_wait3A_49, %dma_wait3A_58, %dma_wait3A_59] : memref<4x128x64xf32, #tpu.memory_space<vmem>> -> memref<1x128x64xf32, #tpu.memory_space<vmem>>
      %dma_wait3A_61 = tpu.memref_squeeze %dma_wait3A_60 : memref<1x128x64xf32, #tpu.memory_space<vmem>> -> memref<128x64xf32, #tpu.memory_space<vmem>>
      tpu.wait_dma2 semaphore(%arg15 : memref<!tpu.dma_semaphore, #tpu.memory_space<semaphore_mem>>) src(%dma_wait3A_61 : memref<128x64xf32, #tpu.memory_space<vmem>>) dst(%dma_wait3A_57 : memref<128x64xf32, #tpu.memory_space<hbm>>)
    } else {
    }
    %add3A_28 = arith.constant 4992 : i32
    %add3A_29 = arith.addi %mul3A_2, %add3A_28 : i32
    %lt3A_30 = arith.constant 160000 : i32
    %lt3A_31 = arith.cmpi slt, %add3A_29, %lt3A_30 : i32
    %convert_element_type3A_32 = arith.extui %lt3A_31 : i1 to i32
    %cond3A_33 = arith.constant 0 : i32
    %cond3A_34 = arith.cmpi ne, %convert_element_type3A_32, %cond3A_33 : i32
    scf.if %cond3A_34 {
      %add3A_35 = arith.constant 4992 : i32
      %add3A_36 = arith.addi %mul3A_2, %add3A_35 : i32
      %dma_wait3A = arith.constant 3 : i32
      %dma_wait3A_37 = arith.constant 0 : i32
      %dma_wait3A_38 = arith.constant 0 : i32
      %dma_wait3A_39 = tpu.memref_slice %arg9[%dma_wait3A, %dma_wait3A_37, %dma_wait3A_38] : memref<4x128x64xf32, #tpu.memory_space<vmem>> -> memref<1x128x64xf32, #tpu.memory_space<vmem>>
      %dma_wait3A_40 = tpu.memref_squeeze %dma_wait3A_39 : memref<1x128x64xf32, #tpu.memory_space<vmem>> -> memref<128x64xf32, #tpu.memory_space<vmem>>
      %dma_wait3A_41 = arith.constant 0 : i32
      %dma_wait3A_42 = tpu.memref_slice %arg6[%add3A_36, %dma_wait3A_41] : memref<160000x128xf32, #tpu.memory_space<hbm>> -> memref<128x64xf32, #tpu.memory_space<hbm>>
      %dma_wait3A_43 = arith.constant 0 : i32
      %dma_wait3A_44 = tpu.memref_slice %arg6[%add3A_36, %dma_wait3A_43] : memref<160000x128xf32, #tpu.memory_space<hbm>> -> memref<128x64xf32, #tpu.memory_space<hbm>>
      %dma_wait3A_45 = arith.constant 0 : i32
      %dma_wait3A_46 = arith.constant 0 : i32
      %dma_wait3A_47 = tpu.memref_slice %arg9[%dma_wait3A, %dma_wait3A_45, %dma_wait3A_46] : memref<4x128x64xf32, #tpu.memory_space<vmem>> -> memref<1x128x64xf32, #tpu.memory_space<vmem>>
      %dma_wait3A_48 = tpu.memref_squeeze %dma_wait3A_47 : memref<1x128x64xf32, #tpu.memory_space<vmem>> -> memref<128x64xf32, #tpu.memory_space<vmem>>
      tpu.wait_dma2 semaphore(%arg15 : memref<!tpu.dma_semaphore, #tpu.memory_space<semaphore_mem>>) src(%dma_wait3A_48 : memref<128x64xf32, #tpu.memory_space<vmem>>) dst(%dma_wait3A_44 : memref<128x64xf32, #tpu.memory_space<hbm>>)
      %dma_wait3A_49 = arith.constant 3 : i32
      %dma_wait3A_50 = arith.constant 0 : i32
      %dma_wait3A_51 = arith.constant 0 : i32
      %dma_wait3A_52 = tpu.memref_slice %arg10[%dma_wait3A_49, %dma_wait3A_50, %dma_wait3A_51] : memref<4x128x64xf32, #tpu.memory_space<vmem>> -> memref<1x128x64xf32, #tpu.memory_space<vmem>>
      %dma_wait3A_53 = tpu.memref_squeeze %dma_wait3A_52 : memref<1x128x64xf32, #tpu.memory_space<vmem>> -> memref<128x64xf32, #tpu.memory_space<vmem>>
      %dma_wait3A_54 = arith.constant 64 : i32
      %dma_wait3A_55 = tpu.memref_slice %arg6[%add3A_36, %dma_wait3A_54] : memref<160000x128xf32, #tpu.memory_space<hbm>> -> memref<128x64xf32, #tpu.memory_space<hbm>>
      %dma_wait3A_56 = arith.constant 64 : i32
      %dma_wait3A_57 = tpu.memref_slice %arg6[%add3A_36, %dma_wait3A_56] : memref<160000x128xf32, #tpu.memory_space<hbm>> -> memref<128x64xf32, #tpu.memory_space<hbm>>
      %dma_wait3A_58 = arith.constant 0 : i32
      %dma_wait3A_59 = arith.constant 0 : i32
      %dma_wait3A_60 = tpu.memref_slice %arg10[%dma_wait3A_49, %dma_wait3A_58, %dma_wait3A_59] : memref<4x128x64xf32, #tpu.memory_space<vmem>> -> memref<1x128x64xf32, #tpu.memory_space<vmem>>
      %dma_wait3A_61 = tpu.memref_squeeze %dma_wait3A_60 : memref<1x128x64xf32, #tpu.memory_space<vmem>> -> memref<128x64xf32, #tpu.memory_space<vmem>>
      tpu.wait_dma2 semaphore(%arg15 : memref<!tpu.dma_semaphore, #tpu.memory_space<semaphore_mem>>) src(%dma_wait3A_61 : memref<128x64xf32, #tpu.memory_space<vmem>>) dst(%dma_wait3A_57 : memref<128x64xf32, #tpu.memory_space<hbm>>)
    } else {
    }
    return
  }
}

module attributes {stable_mosaic.version = 14 : i64} {
  func.func @_precompute_body(%arg0: i32, %arg1: memref<2000x128xf32, #tpu.memory_space<vmem>>, %arg2: memref<2000x64xf32, #tpu.memory_space<vmem>>, %arg3: memref<128x64xf32, #tpu.memory_space<vmem>>, %arg4: memref<64x64xf32, #tpu.memory_space<vmem>>, %arg5: memref<128x64xf32, #tpu.memory_space<vmem>>, %arg6: memref<64x64xf32, #tpu.memory_space<vmem>>, %arg7: memref<1x64xf32, #tpu.memory_space<vmem>>, %arg8: memref<2000x64xf32, #tpu.memory_space<vmem>>, %arg9: memref<2000x64xf32, #tpu.memory_space<vmem>>) attributes {dimension_semantics = [#tpu.dimension_semantics<arbitrary>], iteration_bounds = array<i64: 5>, scalar_prefetch = 0 : i64, scratch_operands = 0 : i64, tpu.core_type = #tpu.core_type<tc>, window_params = [{transform_indices = @transform_0, window_bounds = array<i64: 2000, 128>}, {transform_indices = @transform_1, window_bounds = array<i64: 2000, 64>}, {pipeline_mode = #tpu.pipeline_mode<synchronous>, transform_indices = @transform_2, window_bounds = array<i64: 128, 64>}, {pipeline_mode = #tpu.pipeline_mode<synchronous>, transform_indices = @transform_3, window_bounds = array<i64: 64, 64>}, {pipeline_mode = #tpu.pipeline_mode<synchronous>, transform_indices = @transform_4, window_bounds = array<i64: 128, 64>}, {pipeline_mode = #tpu.pipeline_mode<synchronous>, transform_indices = @transform_5, window_bounds = array<i64: 64, 64>}, {pipeline_mode = #tpu.pipeline_mode<synchronous>, transform_indices = @transform_6, window_bounds = array<i64: 1, 64>}, {transform_indices = @transform_7, window_bounds = array<i64: 2000, 64>}, {transform_indices = @transform_8, window_bounds = array<i64: 2000, 64>}]} {
    %get3A = arith.constant 0 : index
    %get3A_0 = arith.constant 0 : index
    %get3A_1 = vector.load %arg1[%get3A, %get3A_0] : memref<2000x128xf32, #tpu.memory_space<vmem>>, vector<2000x128xf32>
    %get3A_2 = arith.constant 0 : index
    %get3A_3 = arith.constant 0 : index
    %get3A_4 = vector.load %arg2[%get3A_2, %get3A_3] : memref<2000x64xf32, #tpu.memory_space<vmem>>, vector<2000x64xf32>
    %get3A_5 = arith.constant 0 : index
    %get3A_6 = arith.constant 0 : index
    %get3A_7 = vector.load %arg3[%get3A_5, %get3A_6] : memref<128x64xf32, #tpu.memory_space<vmem>>, vector<128x64xf32>
    %dot_general3A = arith.constant dense<0.000000e+00> : vector<2000x64xf32>
    %dot_general3A_8 = tpu.matmul %get3A_1, %get3A_7, %dot_general3A {dimension_numbers = #tpu.dot_dimension_numbers<[1], [0], [0], [1], [0, 0, 1, 1], [], []>, transpose_lhs_hint = false} : vector<2000x128xf32>, vector<128x64xf32>, vector<2000x64xf32> -> vector<2000x64xf32>
    %get3A_9 = arith.constant 0 : index
    %get3A_10 = arith.constant 0 : index
    %get3A_11 = vector.load %arg4[%get3A_9, %get3A_10] : memref<64x64xf32, #tpu.memory_space<vmem>>, vector<64x64xf32>
    %dot_general3A_12 = arith.constant dense<0.000000e+00> : vector<2000x64xf32>
    %dot_general3A_13 = tpu.matmul %get3A_4, %get3A_11, %dot_general3A_12 {dimension_numbers = #tpu.dot_dimension_numbers<[1], [0], [0], [1], [0, 0, 1, 1], [], []>, transpose_lhs_hint = false} : vector<2000x64xf32>, vector<64x64xf32>, vector<2000x64xf32> -> vector<2000x64xf32>
    %add3A = arith.addf %dot_general3A_8, %dot_general3A_13 : vector<2000x64xf32>
    %get3A_14 = arith.constant 0 : index
    %get3A_15 = arith.constant 0 : index
    %get3A_16 = vector.load %arg7[%get3A_14, %get3A_15] : memref<1x64xf32, #tpu.memory_space<vmem>>, vector<1x64xf32>
    %add3A_17 = vector.broadcast %get3A_16 : vector<1x64xf32> to vector<2000x64xf32>
    %add3A_18 = arith.addf %add3A, %add3A_17 : vector<2000x64xf32>
    %swap3A = arith.constant 0 : index
    %swap3A_19 = arith.constant 0 : index
    %swap3A_20 = vector.load %arg8[%swap3A, %swap3A_19] : memref<2000x64xf32, #tpu.memory_space<vmem>>, vector<2000x64xf32>
    tpu.vector_store %arg8[%swap3A, %swap3A_19], %add3A_18 {strides = array<i32>} : memref<2000x64xf32, #tpu.memory_space<vmem>>, vector<2000x64xf32>,
    %get3A_21 = arith.constant 0 : index
    %get3A_22 = arith.constant 0 : index
    %get3A_23 = vector.load %arg5[%get3A_21, %get3A_22] : memref<128x64xf32, #tpu.memory_space<vmem>>, vector<128x64xf32>
    %dot_general3A_24 = arith.constant dense<0.000000e+00> : vector<2000x64xf32>
    %dot_general3A_25 = tpu.matmul %get3A_1, %get3A_23, %dot_general3A_24 {dimension_numbers = #tpu.dot_dimension_numbers<[1], [0], [0], [1], [0, 0, 1, 1], [], []>, transpose_lhs_hint = false} : vector<2000x128xf32>, vector<128x64xf32>, vector<2000x64xf32> -> vector<2000x64xf32>
    %get3A_26 = arith.constant 0 : index
    %get3A_27 = arith.constant 0 : index
    %get3A_28 = vector.load %arg6[%get3A_26, %get3A_27] : memref<64x64xf32, #tpu.memory_space<vmem>>, vector<64x64xf32>
    %dot_general3A_29 = arith.constant dense<0.000000e+00> : vector<2000x64xf32>
    %dot_general3A_30 = tpu.matmul %get3A_4, %get3A_28, %dot_general3A_29 {dimension_numbers = #tpu.dot_dimension_numbers<[1], [0], [0], [1], [0, 0, 1, 1], [], []>, transpose_lhs_hint = false} : vector<2000x64xf32>, vector<64x64xf32>, vector<2000x64xf32> -> vector<2000x64xf32>
    %add3A_31 = arith.addf %dot_general3A_25, %dot_general3A_30 : vector<2000x64xf32>
    %swap3A_32 = arith.constant 0 : index
    %swap3A_33 = arith.constant 0 : index
    %swap3A_34 = vector.load %arg9[%swap3A_32, %swap3A_33] : memref<2000x64xf32, #tpu.memory_space<vmem>>, vector<2000x64xf32>
    tpu.vector_store %arg9[%swap3A_32, %swap3A_33], %add3A_31 {strides = array<i32>} : memref<2000x64xf32, #tpu.memory_space<vmem>>, vector<2000x64xf32>,
    return
  }
  func.func @transform_0(%arg0: i32) -> (i32, i32) {
    %c0_i32 = arith.constant 0 : i32
    %c0_i32_0 = arith.constant 0 : i32
    return %arg0, %c0_i32 : i32, i32
  }
  func.func @transform_1(%arg0: i32) -> (i32, i32) {
    %c0_i32 = arith.constant 0 : i32
    %c0_i32_0 = arith.constant 0 : i32
    return %arg0, %c0_i32 : i32, i32
  }
  func.func @transform_2(%arg0: i32) -> (i32, i32) {
    %c0_i32 = arith.constant 0 : i32
    %c0_i32_0 = arith.constant 0 : i32
    %c0_i32_1 = arith.constant 0 : i32
    return %c0_i32, %c0_i32_0 : i32, i32
  }
  func.func @transform_3(%arg0: i32) -> (i32, i32) {
    %c0_i32 = arith.constant 0 : i32
    %c0_i32_0 = arith.constant 0 : i32
    %c0_i32_1 = arith.constant 0 : i32
    return %c0_i32, %c0_i32_0 : i32, i32
  }
  func.func @transform_4(%arg0: i32) -> (i32, i32) {
    %c0_i32 = arith.constant 0 : i32
    %c0_i32_0 = arith.constant 0 : i32
    %c0_i32_1 = arith.constant 0 : i32
    return %c0_i32, %c0_i32_0 : i32, i32
  }
  func.func @transform_5(%arg0: i32) -> (i32, i32) {
    %c0_i32 = arith.constant 0 : i32
    %c0_i32_0 = arith.constant 0 : i32
    %c0_i32_1 = arith.constant 0 : i32
    return %c0_i32, %c0_i32_0 : i32, i32
  }
  func.func @transform_6(%arg0: i32) -> (i32, i32) {
    %c0_i32 = arith.constant 0 : i32
    %c0_i32_0 = arith.constant 0 : i32
    %c0_i32_1 = arith.constant 0 : i32
    return %c0_i32, %c0_i32_0 : i32, i32
  }
  func.func @transform_7(%arg0: i32) -> (i32, i32) {
    %c0_i32 = arith.constant 0 : i32
    %c0_i32_0 = arith.constant 0 : i32
    return %arg0, %c0_i32 : i32, i32
  }
  func.func @transform_8(%arg0: i32) -> (i32, i32) {
    %c0_i32 = arith.constant 0 : i32
    %c0_i32_0 = arith.constant 0 : i32
    return %arg0, %c0_i32 : i32, i32
  }
}

module attributes {stable_mosaic.version = 14 : i64} {
  func.func @_mlp_body(%arg0: i32, %arg1: memref<2000x107xf32, #tpu.memory_space<vmem>>, %arg2: memref<2000x128xf32, #tpu.memory_space<vmem>>, %arg3: memref<107x64xf32, #tpu.memory_space<vmem>>, %arg4: memref<64x64xf32, #tpu.memory_space<vmem>>, %arg5: memref<1x64xf32, #tpu.memory_space<vmem>>, %arg6: memref<64x64xf32, #tpu.memory_space<vmem>>, %arg7: memref<1x64xf32, #tpu.memory_space<vmem>>, %arg8: memref<64x64xf32, #tpu.memory_space<vmem>>, %arg9: memref<1x64xf32, #tpu.memory_space<vmem>>, %arg10: memref<1x64xf32, #tpu.memory_space<vmem>>, %arg11: memref<1x64xf32, #tpu.memory_space<vmem>>, %arg12: memref<2000x64xf32, #tpu.memory_space<vmem>>) attributes {dimension_semantics = [#tpu.dimension_semantics<arbitrary>], iteration_bounds = array<i64: 80>, scalar_prefetch = 0 : i64, scratch_operands = 0 : i64, tpu.core_type = #tpu.core_type<tc>, window_params = [{transform_indices = @transform_0, window_bounds = array<i64: 2000, 107>}, {transform_indices = @transform_1, window_bounds = array<i64: 2000, 128>}, {pipeline_mode = #tpu.pipeline_mode<synchronous>, transform_indices = @transform_2, window_bounds = array<i64: 107, 64>}, {pipeline_mode = #tpu.pipeline_mode<synchronous>, transform_indices = @transform_3, window_bounds = array<i64: 64, 64>}, {pipeline_mode = #tpu.pipeline_mode<synchronous>, transform_indices = @transform_4, window_bounds = array<i64: 1, 64>}, {pipeline_mode = #tpu.pipeline_mode<synchronous>, transform_indices = @transform_5, window_bounds = array<i64: 64, 64>}, {pipeline_mode = #tpu.pipeline_mode<synchronous>, transform_indices = @transform_6, window_bounds = array<i64: 1, 64>}, {pipeline_mode = #tpu.pipeline_mode<synchronous>, transform_indices = @transform_7, window_bounds = array<i64: 64, 64>}, {pipeline_mode = #tpu.pipeline_mode<synchronous>, transform_indices = @transform_8, window_bounds = array<i64: 1, 64>}, {pipeline_mode = #tpu.pipeline_mode<synchronous>, transform_indices = @transform_9, window_bounds = array<i64: 1, 64>}, {pipeline_mode = #tpu.pipeline_mode<synchronous>, transform_indices = @transform_10, window_bounds = array<i64: 1, 64>}, {transform_indices = @transform_11, window_bounds = array<i64: 2000, 64>}]} {
    %get3A = arith.constant 0 : index
    %get3A_0 = arith.constant 0 : index
    %get3A_1 = vector.load %arg1[%get3A, %get3A_0] : memref<2000x107xf32, #tpu.memory_space<vmem>>, vector<2000x107xf32>
    %get3A_2 = arith.constant 0 : index
    %get3A_3 = arith.constant 0 : index
    %get3A_4 = vector.load %arg3[%get3A_2, %get3A_3] : memref<107x64xf32, #tpu.memory_space<vmem>>, vector<107x64xf32>
    %dot_general3A = arith.constant dense<0.000000e+00> : vector<2000x64xf32>
    %dot_general3A_5 = tpu.matmul %get3A_1, %get3A_4, %dot_general3A {dimension_numbers = #tpu.dot_dimension_numbers<[1], [0], [0], [1], [0, 0, 1, 1], [], []>, transpose_lhs_hint = false} : vector<2000x107xf32>, vector<107x64xf32>, vector<2000x64xf32> -> vector<2000x64xf32>
    %get3A_6 = arith.constant 0 : index
    %get3A_7 = arith.constant 0 : index
    %get3A_8 = vector.load %arg2[%get3A_6, %get3A_7] : memref<2000x128xf32, #tpu.memory_space<vmem>>, vector<2000x128xf32>
    %slice3A = vector.extract_strided_slice %get3A_8 {offsets = [0, 0], sizes = [2000, 64], strides = [1, 1]} : vector<2000x128xf32> to vector<2000x64xf32>
    %add3A = arith.addf %dot_general3A_5, %slice3A : vector<2000x64xf32>
    %slice3A_9 = vector.extract_strided_slice %get3A_8 {offsets = [0, 64], sizes = [2000, 64], strides = [1, 1]} : vector<2000x128xf32> to vector<2000x64xf32>
    %add3A_10 = arith.addf %add3A, %slice3A_9 : vector<2000x64xf32>
    %max3A = arith.constant 0.000000e+00 : f32
    %max3A_11 = vector.broadcast %max3A : f32 to vector<2000x64xf32>
    %max3A_12 = arith.maximumf %add3A_10, %max3A_11 : vector<2000x64xf32>
    %get3A_13 = arith.constant 0 : index
    %get3A_14 = arith.constant 0 : index
    %get3A_15 = vector.load %arg4[%get3A_13, %get3A_14] : memref<64x64xf32, #tpu.memory_space<vmem>>, vector<64x64xf32>
    %dot_general3A_16 = arith.constant dense<0.000000e+00> : vector<2000x64xf32>
    %dot_general3A_17 = tpu.matmul %max3A_12, %get3A_15, %dot_general3A_16 {dimension_numbers = #tpu.dot_dimension_numbers<[1], [0], [0], [1], [0, 0, 1, 1], [], []>, transpose_lhs_hint = false} : vector<2000x64xf32>, vector<64x64xf32>, vector<2000x64xf32> -> vector<2000x64xf32>
    %get3A_18 = arith.constant 0 : index
    %get3A_19 = arith.constant 0 : index
    %get3A_20 = vector.load %arg5[%get3A_18, %get3A_19] : memref<1x64xf32, #tpu.memory_space<vmem>>, vector<1x64xf32>
    %add3A_21 = vector.broadcast %get3A_20 : vector<1x64xf32> to vector<2000x64xf32>
    %add3A_22 = arith.addf %dot_general3A_17, %add3A_21 : vector<2000x64xf32>
    %max3A_23 = arith.constant 0.000000e+00 : f32
    %max3A_24 = vector.broadcast %max3A_23 : f32 to vector<2000x64xf32>
    %max3A_25 = arith.maximumf %add3A_22, %max3A_24 : vector<2000x64xf32>
    %get3A_26 = arith.constant 0 : index
    %get3A_27 = arith.constant 0 : index
    %get3A_28 = vector.load %arg6[%get3A_26, %get3A_27] : memref<64x64xf32, #tpu.memory_space<vmem>>, vector<64x64xf32>
    %dot_general3A_29 = arith.constant dense<0.000000e+00> : vector<2000x64xf32>
    %dot_general3A_30 = tpu.matmul %max3A_25, %get3A_28, %dot_general3A_29 {dimension_numbers = #tpu.dot_dimension_numbers<[1], [0], [0], [1], [0, 0, 1, 1], [], []>, transpose_lhs_hint = false} : vector<2000x64xf32>, vector<64x64xf32>, vector<2000x64xf32> -> vector<2000x64xf32>
    %get3A_31 = arith.constant 0 : index
    %get3A_32 = arith.constant 0 : index
    %get3A_33 = vector.load %arg7[%get3A_31, %get3A_32] : memref<1x64xf32, #tpu.memory_space<vmem>>, vector<1x64xf32>
    %add3A_34 = vector.broadcast %get3A_33 : vector<1x64xf32> to vector<2000x64xf32>
    %add3A_35 = arith.addf %dot_general3A_30, %add3A_34 : vector<2000x64xf32>
    %get3A_36 = arith.constant 0 : index
    %get3A_37 = arith.constant 0 : index
    %get3A_38 = vector.load %arg8[%get3A_36, %get3A_37] : memref<64x64xf32, #tpu.memory_space<vmem>>, vector<64x64xf32>
    %dot_general3A_39 = arith.constant dense<0.000000e+00> : vector<2000x64xf32>
    %dot_general3A_40 = tpu.matmul %max3A_25, %get3A_38, %dot_general3A_39 {dimension_numbers = #tpu.dot_dimension_numbers<[1], [0], [0], [1], [0, 0, 1, 1], [], []>, transpose_lhs_hint = false} : vector<2000x64xf32>, vector<64x64xf32>, vector<2000x64xf32> -> vector<2000x64xf32>
    %get3A_41 = arith.constant 0 : index
    %get3A_42 = arith.constant 0 : index
    %get3A_43 = vector.load %arg9[%get3A_41, %get3A_42] : memref<1x64xf32, #tpu.memory_space<vmem>>, vector<1x64xf32>
    %add3A_44 = vector.broadcast %get3A_43 : vector<1x64xf32> to vector<2000x64xf32>
    %add3A_45 = arith.addf %dot_general3A_40, %add3A_44 : vector<2000x64xf32>
    %logistic3A = arith.negf %add3A_35 : vector<2000x64xf32>
    %logistic3A_46 = math.exp %logistic3A : vector<2000x64xf32>
    %logistic3A_47 = arith.constant 1.000000e+00 : f32
    %logistic3A_48 = vector.broadcast %logistic3A_47 : f32 to vector<2000x64xf32>
    %logistic3A_49 = arith.addf %logistic3A_48, %logistic3A_46 : vector<2000x64xf32>
    %logistic3A_50 = arith.divf %logistic3A_48, %logistic3A_49 : vector<2000x64xf32>
    %mul3A = arith.mulf %add3A_45, %logistic3A_50 : vector<2000x64xf32>
    %reduce_sum3A = arith.constant dense<0.000000e+00> : vector<2000xf32>
    %reduce_sum3A_51 = vector.multi_reduction <add>, %mul3A, %reduce_sum3A [1] : vector<2000x64xf32> to vector<2000xf32>
    %broadcast_in_dim3A = vector.shape_cast %reduce_sum3A_51 : vector<2000xf32> to vector<2000x1xf32>
    %div3A = arith.constant 6.400000e+01 : f32
    %div3A_52 = vector.broadcast %div3A : f32 to vector<2000x1xf32>
    %div3A_53 = arith.divf %broadcast_in_dim3A, %div3A_52 : vector<2000x1xf32>
    %sub3A = vector.broadcast %div3A_53 : vector<2000x1xf32> to vector<2000x64xf32>
    %sub3A_54 = arith.subf %mul3A, %sub3A : vector<2000x64xf32>
    %mul3A_55 = arith.mulf %sub3A_54, %sub3A_54 : vector<2000x64xf32>
    %reduce_sum3A_56 = arith.constant dense<0.000000e+00> : vector<2000xf32>
    %reduce_sum3A_57 = vector.multi_reduction <add>, %mul3A_55, %reduce_sum3A_56 [1] : vector<2000x64xf32> to vector<2000xf32>
    %broadcast_in_dim3A_58 = vector.shape_cast %reduce_sum3A_57 : vector<2000xf32> to vector<2000x1xf32>
    %div3A_59 = arith.constant 6.400000e+01 : f32
    %div3A_60 = vector.broadcast %div3A_59 : f32 to vector<2000x1xf32>
    %div3A_61 = arith.divf %broadcast_in_dim3A_58, %div3A_60 : vector<2000x1xf32>
    %add3A_62 = arith.constant 9.99999974E-6 : f32
    %add3A_63 = vector.broadcast %add3A_62 : f32 to vector<2000x1xf32>
    %add3A_64 = arith.addf %div3A_61, %add3A_63 : vector<2000x1xf32>
    %rsqrt3A = math.rsqrt %add3A_64 : vector<2000x1xf32>
    %mul3A_65 = vector.broadcast %rsqrt3A : vector<2000x1xf32> to vector<2000x64xf32>
    %mul3A_66 = arith.mulf %sub3A_54, %mul3A_65 : vector<2000x64xf32>
    %get3A_67 = arith.constant 0 : index
    %get3A_68 = arith.constant 0 : index
    %get3A_69 = vector.load %arg10[%get3A_67, %get3A_68] : memref<1x64xf32, #tpu.memory_space<vmem>>, vector<1x64xf32>
    %mul3A_70 = vector.broadcast %get3A_69 : vector<1x64xf32> to vector<2000x64xf32>
    %mul3A_71 = arith.mulf %mul3A_66, %mul3A_70 : vector<2000x64xf32>
    %get3A_72 = arith.constant 0 : index
    %get3A_73 = arith.constant 0 : index
    %get3A_74 = vector.load %arg11[%get3A_72, %get3A_73] : memref<1x64xf32, #tpu.memory_space<vmem>>, vector<1x64xf32>
    %add3A_75 = vector.broadcast %get3A_74 : vector<1x64xf32> to vector<2000x64xf32>
    %add3A_76 = arith.addf %mul3A_71, %add3A_75 : vector<2000x64xf32>
    %swap3A = arith.constant 0 : index
    %swap3A_77 = arith.constant 0 : index
    %swap3A_78 = vector.load %arg12[%swap3A, %swap3A_77] : memref<2000x64xf32, #tpu.memory_space<vmem>>, vector<2000x64xf32>
    tpu.vector_store %arg12[%swap3A, %swap3A_77], %add3A_76 {strides = array<i32>} : memref<2000x64xf32, #tpu.memory_space<vmem>>, vector<2000x64xf32>,
    return
  }
  func.func @transform_0(%arg0: i32) -> (i32, i32) {
    %c0_i32 = arith.constant 0 : i32
    %c0_i32_0 = arith.constant 0 : i32
    return %arg0, %c0_i32 : i32, i32
  }
  func.func @transform_1(%arg0: i32) -> (i32, i32) {
    %c0_i32 = arith.constant 0 : i32
    %c0_i32_0 = arith.constant 0 : i32
    return %arg0, %c0_i32 : i32, i32
  }
  func.func @transform_2(%arg0: i32) -> (i32, i32) {
    %c0_i32 = arith.constant 0 : i32
    %c0_i32_0 = arith.constant 0 : i32
    %c0_i32_1 = arith.constant 0 : i32
    return %c0_i32, %c0_i32_0 : i32, i32
  }
  func.func @transform_3(%arg0: i32) -> (i32, i32) {
    %c0_i32 = arith.constant 0 : i32
    %c0_i32_0 = arith.constant 0 : i32
    %c0_i32_1 = arith.constant 0 : i32
    return %c0_i32, %c0_i32_0 : i32, i32
  }
  func.func @transform_4(%arg0: i32) -> (i32, i32) {
    %c0_i32 = arith.constant 0 : i32
    %c0_i32_0 = arith.constant 0 : i32
    %c0_i32_1 = arith.constant 0 : i32
    return %c0_i32, %c0_i32_0 : i32, i32
  }
  func.func @transform_5(%arg0: i32) -> (i32, i32) {
    %c0_i32 = arith.constant 0 : i32
    %c0_i32_0 = arith.constant 0 : i32
    %c0_i32_1 = arith.constant 0 : i32
    return %c0_i32, %c0_i32_0 : i32, i32
  }
  func.func @transform_6(%arg0: i32) -> (i32, i32) {
    %c0_i32 = arith.constant 0 : i32
    %c0_i32_0 = arith.constant 0 : i32
    %c0_i32_1 = arith.constant 0 : i32
    return %c0_i32, %c0_i32_0 : i32, i32
  }
  func.func @transform_7(%arg0: i32) -> (i32, i32) {
    %c0_i32 = arith.constant 0 : i32
    %c0_i32_0 = arith.constant 0 : i32
    %c0_i32_1 = arith.constant 0 : i32
    return %c0_i32, %c0_i32_0 : i32, i32
  }
  func.func @transform_8(%arg0: i32) -> (i32, i32) {
    %c0_i32 = arith.constant 0 : i32
    %c0_i32_0 = arith.constant 0 : i32
    %c0_i32_1 = arith.constant 0 : i32
    return %c0_i32, %c0_i32_0 : i32, i32
  }
  func.func @transform_9(%arg0: i32) -> (i32, i32) {
    %c0_i32 = arith.constant 0 : i32
    %c0_i32_0 = arith.constant 0 : i32
    %c0_i32_1 = arith.constant 0 : i32
    return %c0_i32, %c0_i32_0 : i32, i32
  }
  func.func @transform_10(%arg0: i32) -> (i32, i32) {
    %c0_i32 = arith.constant 0 : i32
    %c0_i32_0 = arith.constant 0 : i32
    %c0_i32_1 = arith.constant 0 : i32
    return %c0_i32, %c0_i32_0 : i32, i32
  }
  func.func @transform_11(%arg0: i32) -> (i32, i32) {
    %c0_i32 = arith.constant 0 : i32
    %c0_i32_0 = arith.constant 0 : i32
    return %arg0, %c0_i32 : i32, i32
  }
}

</mosaic_0001>

<sc_bundles>
// kernel: kernel.5.cloned.1.call-start
scs
__scs_entry_jumppad:
0x0: {  	(pc) =	sbr.rel $0x88, $3  }
0x1: {  	(tag) =	ssettag $0x0;
	lr =	simm.s32 $0x1  }
0x2: {  	[smem:$0x3F93] =	sst lr;
	_ =	strace $0xD0000000  }
0x3: {  	_ = 	snop  }
0x4: {  	_ = 	snop  }
0x5: {  	_ = 	snop  }
0x6: {  	_ = 	snop  }
0x7: {  	_ = 	snop  }
__scs_overlays_trampoline_lowered:
0x8: {  	[smem:$0x3FA2] =	sst s0  }
0x9: {  	[smem:$0x3FA3] =	sst s1  }
0xa: {  	[smem:$0x3FA4] =	sst s2  }
0xb: {  	[smem:$0x3FA5] =	sst s3  }
0xc: {  	[smem:$0x3FA6] =	sst s4  }
0xd: {  	[smem:$0x3FA7] =	sst s5  }
0xe: {  	[smem:$0x3FA8] =	sst s6  }
0xf: {  	[smem:$0x3FA9] =	sst s7  }
0x10: {  	[smem:$0x3FAA] =	sst s8  }
0x11: {  	[smem:$0x3FAB] =	sst s9;
	s0 =	simm.s32 @!p0 $0x0  }
0x12: {  	s1 =	sld [smem:$0x3F91];
	s0 =	simm.s32 @p0 $0x1  }
0x13: {  	[smem:$0x3FAC] =	sst s0;
	s0 =	simm.s32 @!p1 $0x0  }
0x14: {  	s2 =	sld [smem:$0x3F90];
	s0 =	simm.s32 @p1 $0x1  }
0x15: {  	[smem:$0x3FAD] =	sst s0;
	s0 =	simm.s32 @!p2 $0x0  }
0x16: {  	s3 =	sld [smem:$0x3FDB];
	s0 =	simm.s32 @p2 $0x1  }
0x17: {  	s4 =	simm.s32 $0x1BF5;
	[smem:$0x3FAF] =	sst s0  }
0x18: {  	s0 =	sld [smem:$0x3F92];
	_ =	swait.ge [sflag:s4], $0x0  }
0x19: {  	s7 =	sld [smem:$0x3F93]  }
0x1a: {  	s8 =	sadd.s32 $0xFFFFE003, lr  }
0x1b: {  	s9 =	sadd.s32 $0xFFFFFEF7, lr;
	s5 =	simm.s32 $0xFFFFFFFF;
	p2 =	slt.u32 s8, $0xFFFFF086  }
0x1c: {  	p1 =	slt.u32 s9, $0xF7A;
	s5 =	simm.s32 @!p2 $0x0  }
0x1d: {  	s5 =	simm.s32 @p1 $0x1;
	p0 =	seq.s32 s7, s2  }
0x1e: {  	s7 =	smul.u32 @!p0 $0xF7A, s2;
	p2 =	seq.s32 @!p0 s5, $0x0  }
0x1f: {  	s9 =	smul.u32 $0xF7A, s1;
	s8 =	simm.s32 @!p0 $0x1BF5;
	p2 =	por !p2, p0  }
0x20: {  	[sflag:s8] =	ssyncset.s32 @!p0 $0xFFFFF086;
	s6 =	sadd.s32 @!p0 s3, s7;
	s7 =	simm.s32 @!p0 $0x108  }
0x21: {  	s3 =	sadd.s32 s3, s9;
	s6 =	sadd.s32 @!p0 $0x88, s6;
	s7 =	simm.s32 @p2 $0x1082  }
0x22: {  	[simem:s7], [sflag:s8] =	dma.local @!p0 [hbm:s6], $0xF7A  }
0x23: {  	s9 =	sor.u32 $0xD0000000, s2;
	s6 =	simm.s32 $0x108;
	_ =	swait.ge @!p0 [sflag:s8], $0x0  }
0x24: {  	s3 =	sadd.s32 $0x88, s3;
	s6 =	simm.s32 @!p1 $0x1082;
	[sflag:s4] =	ssyncset.s32 $0xFFFFF086  }
0x25: {  	[simem:s6], [sflag:s4] =	dma.local [hbm:s3], $0xF7A  }
0x26: {  	[smem:$0x3F93] =	sst s1;
	(tag) =	ssettag s2;
	_ =	strace s9  }
0x27: {  	s1 =	sld [smem:$0x3FA3]  }
0x28: {  	s2 =	sld [smem:$0x3FA4]  }
0x29: {  	s4 =	sld [smem:$0x3FA6]  }
0x2a: {  	p0 =	seq.s32 s5, $0x0;
	s5 =	sld [smem:$0x3FA7]  }
0x2b: {  	s6 =	sld [smem:$0x3FA8]  }
0x2c: {  	s7 =	sld [smem:$0x3FA9]  }
0x2d: {  	s3 =	simm.s32 $0x108;
	s8 =	sld [smem:$0x3FAA]  }
0x2e: {  	s3 =	simm.s32 @!p0 $0x1082;
	s9 =	sld [smem:$0x3FAB]  }
0x2f: {  	lr =	sadd.s32 s0, s3;
	s0 =	sld [smem:$0x3FA2]  }
0x30: {  	s3 =	sld [smem:$0x3FA5]  }
0x31: {  	[smem:$0x3FAE] =	sst s10  }
0x32: {  	s10 =	sld [smem:$0x3FAC];
	_ =	sdelay $0x3  }
0x33: {  	p0 =	seq.s32 s10, $0x1;
	s10 =	sld [smem:$0x3FAE];
	_ =	sdelay $0x3  }
0x34: {  	[smem:$0x3FAE] =	sst s10  }
0x35: {  	s10 =	sld [smem:$0x3FAD];
	_ =	sdelay $0x3  }
0x36: {  	p1 =	seq.s32 s10, $0x1;
	s10 =	sld [smem:$0x3FAE];
	_ =	sdelay $0x3  }
0x37: {  	[smem:$0x3FAE] =	sst s10  }
0x38: {  	s10 =	sld [smem:$0x3FAF]  }
0x39: {  	_ = 	snop;
	(pc) =	sbr.ind lr, $3  }
0x3a: {  	_ = 	snop  }
0x3b: {  	_ = 	snop  }
0x3c: {  	p2 =	seq.s32 s10, $0x1;
	s10 =	sld [smem:$0x3FAE]  }
0x3d: {  	_ =	shalt  }
0x3e: {  	_ =	shalt  }
0x3f: {  	_ =	shalt  }
0x40: {  	_ =	shalt  }
0x41: {  	_ =	shalt  }
0x42: {  	_ =	shalt  }
0x43: {  	_ =	shalt  }
0x44: {  	_ =	shalt  }
0x45: {  	_ =	shalt  }
0x46: {  	_ =	shalt  }
0x47: {  	_ =	shalt  }
0x48: {  	_ =	shalt  }
0x49: {  	_ =	shalt  }
0x4a: {  	_ =	shalt  }
0x4b: {  	_ =	shalt  }
0x4c: {  	_ =	shalt  }
0x4d: {  	_ =	shalt  }
0x4e: {  	_ =	shalt  }
0x4f: {  	_ =	shalt  }
0x50: {  	_ =	shalt  }
0x51: {  	_ =	shalt  }
0x52: {  	_ =	shalt  }
0x53: {  	_ =	shalt  }
0x54: {  	_ =	shalt  }
0x55: {  	_ =	shalt  }
0x56: {  	_ =	shalt  }
0x57: {  	_ =	shalt  }
0x58: {  	_ =	shalt  }
0x59: {  	_ =	shalt  }
0x5a: {  	_ =	shalt  }
0x5b: {  	_ =	shalt  }
0x5c: {  	_ =	shalt  }
0x5d: {  	_ =	shalt  }
0x5e: {  	_ =	shalt  }
0x5f: {  	_ =	shalt  }
0x60: {  	_ =	shalt  }
0x61: {  	_ =	shalt  }
0x62: {  	_ =	shalt  }
0x63: {  	_ =	shalt  }
0x64: {  	_ =	shalt  }
0x65: {  	_ =	shalt  }
0x66: {  	_ =	shalt  }
0x67: {  	_ =	shalt  }
0x68: {  	_ =	shalt  }
0x69: {  	_ =	shalt  }
0x6a: {  	_ =	shalt  }
0x6b: {  	_ =	shalt  }
0x6c: {  	_ =	shalt  }
0x6d: {  	_ =	shalt  }
0x6e: {  	_ =	shalt  }
0x6f: {  	_ =	shalt  }
0x70: {  	_ =	shalt  }
0x71: {  	_ =	shalt  }
0x72: {  	_ =	shalt  }
0x73: {  	_ =	shalt  }
0x74: {  	_ =	shalt  }
0x75: {  	_ =	shalt  }
0x76: {  	_ =	shalt  }
0x77: {  	_ =	shalt  }
0x78: {  	_ =	shalt  }
0x79: {  	_ =	shalt  }
0x7a: {  	_ =	shalt  }
0x7b: {  	_ =	shalt  }
0x7c: {  	_ =	shalt  }
0x7d: {  	_ =	shalt  }
0x7e: {  	_ =	shalt  }
0x7f: {  	_ =	shalt  }
0x80: {  	_ =	shalt  }
0x81: {  	_ =	shalt  }
0x82: {  	_ =	shalt  }
0x83: {  	_ =	shalt  }
0x84: {  	_ =	shalt  }
0x85: {  	_ =	shalt  }
0x86: {  	_ =	shalt  }
0x87: {  	_ =	shalt  }
.Lfunc_end0:
.L_simem_size_0:
called_computation_lowered:
.L_overlay_start_0:
0x88: {  	s2 =	sld [smem:$0x3FD9]  }
0x89: {  	s3 =	sld [smem:$0x3FFE];
	_ =	sdelay $0x1  }
0x8a: {  	s1 =	srdreg.scid  }
0x8b: {  	s0 =	sand.u32 $0x1, s1  }
0x8c: {  	s17 =	sshll.u32 s0, $0xA;
	s2 =	sadd.s32 s3, s2  }
0x8d: {  	s2 =	sadd.s32 s2, s17  }
0x8e: {  	[smem:$0x3FBA] =	sst s2  }
0x8f: {  	_ = 	snop  }
0x90: {  	s2 =	sld [smem:$0x3FD0];
	(tm) =	ssettm $0x1  }
0x91: {  	s18 =	sld [smem:$0x3FFB];
	_ =	sdelay $0x3  }
0x92: {  	_ =	strace s18  }
0x93: {  	s3 =	sld [smem:$0x3FFC];
	_ =	sdelay $0x3  }
0x94: {  	_ =	strace s3  }
0x95: {  	s3 =	sld [smem:$0x3FFD];
	_ =	sdelay $0x3  }
0x96: {  	_ =	strace s3  }
0x97: {  	_ =	strace $0x8FFFFFFF  }
0x98: {  	s19 =	sld [smem:$0x3FDB];
	_ =	sdelay $0x1  }
0x99: {  	s4 =	simm.s32 $_scs_section_size  }
0x9a: {  	s5 =	simm.s32 $_size__tile_overlayer_lowered;
	s6 =	simm.s32 $_tile_overlayer_lowered  }
0x9b: {  	s22 =	simm.s32 $0x1BFF;
	s21 =	sshll.u32 s6, $0x1;
	s3 =	sadd.s32 s4, s19  }
0x9c: {  	s7 =	simm.s32 $0x0;
	s20 =	sshll.u32 s5, $0x1;
	s5 =	sadd.s32 s21, s3  }
0x9d: {  	[timem:s7], [sflag:s22] =	dma.local [hbm:s5], s20  }
0x9e: {  	_ =	swait.ge [sflag:s22], s20  }
0x9f: {  	s4 =	ssub.s32 $0x0, s20;
	[sflag:s22] =	ssyncset.done $0x0  }
0xa0: {  	[sflag:s22] =	ssyncadd.s32 s4;
	_ =	sdelay $0x1  }
0xa1: {  	s23 =	simm.s32 $0x1B8B  }
0xa2: {  	_ =	swait.ge [sflag:s23], $0x1  }
0xa3: {  	[sflag:s23] =	ssyncset.done $0x0  }
0xa4: {  	s25 =	simm.s32 $0x1B8E;
	s24 =	sld [smem:$0x3FFE];
	[sflag:s23] =	ssyncadd.s32 $0xFFFFFFFF  }
0xa5: {  	s26 =	simm.s32 $execute0_lowered;
	[smem:$0x3FD2] =	sst s25  }
0xa6: {  	s5 =	sshll.u32 s26, $0x1;
	_ =	strace $0x80000046;
	[dreg:$0x1] =	wrdreg $0xFFFFFFFF  }
0xa7: {  	s28 =	simm.s32 $_size_execute0_lowered;
	s3 =	sadd.s32 s3, s5;
	[dreg:$0x0] =	wrdreg $0x0  }
0xa8: {  	s5 =	sshll.u32 s28, $0x1;
	[dreg:$0x2] =	wrdreg s3  }
0xa9: {  	[dreg:$0x3] =	wrdreg s5  }
0xaa: {  	[dreg:$0x4] =	wrdreg $0xC0  }
0xab: {  	_ =	task [dreg:s7], $0x5FFFF  }
0xac: {  	[dreg:$0x1] =	wrdreg $0xFFFFFFFF  }
0xad: {  	[dreg:$0x0] =	wrdreg $0x60  }
0xae: {  	[dreg:$0x2] =	wrdreg s2  }
0xaf: {  	[dreg:$0x3] =	wrdreg s24  }
0xb0: {  	[dreg:$0x4] =	wrdreg $0x9  }
0xb1: {  	_ =	task.clear_ibuf [dreg:s7], $0x5FFFF;
	_ =	strace $0x90000046  }
0xb2: {  	s29 =	simm.s32 $0x9;
	_ =	strace $0x80000048  }
0xb3: {  	_ =	swait.ge [sflag:s29], $0x1  }
0xb4: {  	[sflag:s29] =	ssyncadd.s32 $0xFFFFFFFF  }
0xb5: {  	_ =	strace $0x90000048  }
0xb6: {  	_ =	sfence  }
0xb7: {  	s30 =	sld [smem:$0x0];
	_ =	sdelay $0x2  }
0xb8: {  	s31 =	sshll.u32 s1, $0xD;
	s1 =	sshrl.u32 s1, $0x2  }
0xb9: {  	s3 =	sand.u32 $0x4000, s31;
	s1 =	sadd.s32 s1, s30  }
0xba: {  	s0 =	sor.u32 s3, s0;
	s1 =	sshll.u32 s1, $0x11  }
0xbb: {  	s0 =	sor.u32 s1, s0  }
0xbc: {  	s0 =	sadd.s32 $0x8F2B, s0  }
0xbd: {  	[sflag:s0] =	ssyncadd.remote.s32 $0x1  }
0xbe: {  	_ =	sfence.sel $0xFFFF  }
0xbf: {  	[dreg:$0x0] =	wrdreg $0xFFFFFFFF;
	(pc) =	sbr.abs _section_cstart, $3  }
0xc0: {  	[dreg:$0x1] =	wrdreg $0xFFFFFFFF  }
0xc1: {  	_ =	task.clear_ibuf [dreg:s7], $0x2FFFF;
	_ =	strace $0x9FFFFFFF  }
0xc2: {  	(tm) =	ssettm $0x7FFFFFFF  }
0xc3: {  	_ =	shalt  }
tec
execute0_lowered:
.L_overlay_start_1:
0x0: {  	(tag) =	ssettag $0x1  }
0x1: {  	s1 =	srdreg.scid  }
0x2: {  	s0 =	stileid.u32;
	s2 =	rddreg [dreg:$0x0]  }
0x3: {  	s5 =	rddreg [dreg:$0x1];
	s3 =	simm.s32 $0x0;
	s22 =	simm.s32 $0x2800  }
0x4: {  	s23 =	simm.s32 $0xA800;
	s24 =	simm.s32 $0x4800;
	s26 =	simm.s32 $0xC800  }
0x5: {  	s28 =	simm.s32 $0x6800;
	s7 =	sand.u32 $0x1, s1;
	s1 =	rddreg [dreg:$0x2]  }
0x6: {  	s29 =	simm.s32 $0xE800;
	s30 =	simm.s32 $0x8800;
	[smem:$0x7FF] =	sst s3  }
0x7: {  	s31 =	simm.s32 $0x10800;
	_ =	strace $0x80000047;
	[dreg:$0x5] =	wrdreg s22  }
0x8: {  	s13 =	simm.s32 $0x2;
	s14 =	simm.s32 $0x3;
	[dreg:$0x6] =	wrdreg s23  }
0x9: {  	s15 =	simm.s32 $0x4;
	s8 =	smul.u32 $0x28000, s0;
	[dreg:$0x7] =	wrdreg s24  }
0xa: {  	s18 =	sshll.u32 s0, $0x1;
	s10 =	smul.u32 $0x2800, s0;
	[dreg:$0x8] =	wrdreg s26  }
0xb: {  	s4 =	sadd.s32 $0xCA00, s5;
	s11 =	smul.u32 $0x1400, s7;
	[dreg:$0x9] =	wrdreg s28  }
0xc: {  	s16 =	sor.u32 s7, s18;
	s25 =	smul.u32 $0x14000, s7;
	[dreg:$0xa] =	wrdreg s29  }
0xd: {  	s19 =	ssub.s32 $0x2, s7;
	[dreg:$0xb] =	wrdreg s30;
	s6 =	smul.u32 $0x280, s16  }
0xe: {  	[dreg:$0xc] =	wrdreg s31;
	s9 =	smul.u32 $0x1400, s16;
	s8 =	sadd.s32 s8, s5  }
0xf: {  	s12 =	sshrl.u32 s19, $0x1;
	p0 =	seq.s32 s16, $0x1F;
	s16 =	simm.s32 $0x0  }
0x10: {  	s20 =	sadd.s32 s11, s10;
	s21 =	ssub.s32 s19, s12;
	s8 =	sadd.s32 s25, s8  }
0x11: {  	s10 =	simm.s32 $0x1400;
	s11 =	simm.s32 $0x80;
	s12 =	simm.s32 $0x1  }
0x12: {  	s6 =	sadd.s32 s6, s5;
	s9 =	ssub.s32 $0x27100, s9;
	[dreg:$0x4] =	wrdreg s20  }
0x13: {  	s7 =	smax.u32 s21, $0x1;
	s8 =	sadd.s32 $0x21C08, s8;
	[dreg:$0x3] =	wrdreg s9  }
0x14: {  	s5 =	sadd.s32 $0x7A00, s6;
	s6 =	sadd.s32 $0x2A00, s6;
	s9 =	simm.s32 $0x6  }
.LBB2_1:
0x15: {  	[tilespmem:s3], [sflag:$0x6] =	stream.linear.gather [hbm4b:s5+s3], $0x1400, $0x38;
	[tilespmem:$0x12800] =	vst v63  }
0x16: {  	_ =	swait.ge [sflag:s9], $0x1400  }
0x17: {  	[sflag:s9] =	ssyncset.done $0x0  }
0x18: {  	[sflag:s9] =	ssyncadd.s32 $0xFFFFEC00  }
0x19: {  	[tilespmem:s10], [sflag:$0x6] =	stream.linear.gather [hbm4b:s6+s3], $0x1400, $0x38;
	[tilespmem:$0x12800] =	vst v63  }
0x1a: {  	_ =	swait.ge [sflag:s9], $0x1400  }
0x1b: {  	p1 =	por $0x1, $0x1;
	s17 =	rddreg [dreg:$0x3]  }
0x1c: {  	p2 =	sle.s32 @!p1 s17, $0xFFFFFE00  }
0x1d: {  	[sflag:s9] =	ssyncset.done $0x0;
	p2 =	por p2, p1  }
0x1e: {  	[sflag:s9] =	ssyncadd.s32 $0xFFFFEC00;
	s17 =	simm.s32 @!p2 $0x5  }
0x1f: {  	_ =	swait.ge @!p2 [sflag:s17], $0x2000  }
0x20: {  	[sflag:s17] =	ssyncset.done @!p2 $0x0  }
0x21: {  	[sflag:s17] =	ssyncadd.s32 @!p2 $0xFFFFE000  }
0x22: {  	_ =	swait.ge @!p2 [sflag:s17], $0x2000  }
0x23: {  	s18 =	rddreg [dreg:$0x4]  }
0x24: {  	s18 =	sadd.s32 $0xFFFFFE00, s18  }
0x25: {  	s19 =	sadd.s32 $0x80, s18  }
0x26: {  	p3 =	sgt.s32 @!p1 s19, $0x270FF  }
0x27: {  	[sflag:s17] =	ssyncset.done @!p2 $0x0;
	p3 =	por p3, p1  }
0x28: {  	[sflag:s17] =	ssyncadd.s32 @!p2 $0xFFFFE000;
	s17 =	simm.s32 @!p3 $0x5  }
0x29: {  	_ =	swait.ge @!p3 [sflag:s17], $0x2000  }
0x2a: {  	[sflag:s17] =	ssyncset.done @!p3 $0x0  }
0x2b: {  	s19 =	sadd.s32 $0x100, s18;
	[sflag:s17] =	ssyncadd.s32 @!p3 $0xFFFFE000  }
0x2c: {  	p2 =	sgt.s32 @!p1 s19, $0x270FF;
	_ =	swait.ge @!p3 [sflag:s17], $0x2000  }
0x2d: {  	p2 =	por p2, p1;
	[sflag:s17] =	ssyncset.done @!p3 $0x0  }
0x2e: {  	s19 =	simm.s32 @!p2 $0x5;
	[sflag:s17] =	ssyncadd.s32 @!p3 $0xFFFFE000  }
0x2f: {  	_ =	swait.ge @!p2 [sflag:s19], $0x2000  }
0x30: {  	[sflag:s19] =	ssyncset.done @!p2 $0x0  }
0x31: {  	s17 =	sadd.s32 $0x180, s18;
	[sflag:s19] =	ssyncadd.s32 @!p2 $0xFFFFE000  }
0x32: {  	p3 =	sgt.s32 @!p1 s17, $0x270FF;
	_ =	swait.ge @!p2 [sflag:s19], $0x2000  }
0x33: {  	p1 =	por p3, p1;
	[sflag:s19] =	ssyncset.done @!p2 $0x0  }
0x34: {  	s17 =	simm.s32 @!p1 $0x5;
	[sflag:s19] =	ssyncadd.s32 @!p2 $0xFFFFE000  }
0x35: {  	_ =	swait.ge @!p1 [sflag:s17], $0x2000  }
0x36: {  	[sflag:s17] =	ssyncset.done @!p1 $0x0  }
0x37: {  	[sflag:s17] =	ssyncadd.s32 @!p1 $0xFFFFE000  }
0x38: {  	_ =	swait.ge @!p1 [sflag:s17], $0x2000  }
0x39: {  	[sflag:s17] =	ssyncset.done @!p1 $0x0  }
0x3a: {  	s24 =	simm.s32 $0x0;
	s23 =	rddreg [dreg:$0x5];
	[sflag:s17] =	ssyncadd.s32 @!p1 $0xFFFFE000  }
0x3b: {  	[tilespmem:s23], [sflag:$0x1] =	stream.indirect.gather [hbm4b:s2+s11], $0x40, s24, s11, $0xb8;
	[tilespmem:$0x12800] =	vst v63  }
0x3c: {  	s25 =	simm.s32 $0x1400;
	s20 =	rddreg [dreg:$0x6]  }
0x3d: {  	[tilespmem:s20], [sflag:$0x1] =	stream.indirect.gather [hbm4b:s4+s11], $0x40, s25, s11, $0xb8;
	[tilespmem:$0x12800] =	vst v63  }
0x3e: {  	s28 =	simm.s32 $0x80;
	s26 =	rddreg [dreg:$0x7]  }
0x3f: {  	[tilespmem:s26], [sflag:$0x2] =	stream.indirect.gather [hbm4b:s2+s11], $0x40, s28, s11, $0xb8;
	[tilespmem:$0x12800] =	vst v63  }
0x40: {  	s30 =	simm.s32 $0x1480;
	s29 =	rddreg [dreg:$0x8]  }
0x41: {  	[tilespmem:s29], [sflag:$0x2] =	stream.indirect.gather [hbm4b:s4+s11], $0x40, s30, s11, $0xb8;
	[tilespmem:$0x12800] =	vst v63  }
0x42: {  	s21 =	simm.s32 $0x100;
	s31 =	rddreg [dreg:$0x9]  }
0x43: {  	[tilespmem:s31], [sflag:$0x3] =	stream.indirect.gather [hbm4b:s2+s11], $0x40, s21, s11, $0xb8;
	[tilespmem:$0x12800] =	vst v63  }
0x44: {  	s22 =	rddreg [dreg:$0xa];
	s23 =	simm.s32 $0x1500  }
0x45: {  	[tilespmem:s22], [sflag:$0x3] =	stream.indirect.gather [hbm4b:s4+s11], $0x40, s23, s11, $0xb8;
	[tilespmem:$0x12800] =	vst v63  }
0x46: {  	s24 =	rddreg [dreg:$0xb];
	s25 =	simm.s32 $0x180  }
0x47: {  	[tilespmem:s24], [sflag:$0x4] =	stream.indirect.gather [hbm4b:s2+s11], $0x40, s25, s11, $0xb8;
	[tilespmem:$0x12800] =	vst v63  }
0x48: {  	s26 =	rddreg [dreg:$0xc];
	s28 =	simm.s32 $0x1580  }
0x49: {  	[tilespmem:s26], [sflag:$0x4] =	stream.indirect.gather [hbm4b:s4+s11], $0x40, s28, s11, $0xb8;
	[tilespmem:$0x12800] =	vst v63  }
0x4a: {  	_ =	swait.ge [sflag:s12], $0x2000  }
0x4b: {  	[sflag:s12] =	ssyncset.done $0x0  }
0x4c: {  	s29 =	sadd.s32 $0x200, s18;
	[sflag:s12] =	ssyncadd.s32 $0xFFFFE000  }
0x4d: {  	p1 =	sgt.u32 s29, $0x270FF;
	_ =	swait.ge [sflag:s12], $0x2000  }
0x4e: {  	s17 =	sadd.s32 @!p1 $0xFFFFE7F8, s8;
	s19 =	simm.s32 @!p1 $0x40;
	[sflag:s12] =	ssyncset.done $0x0  }
0x4f: {  	s20 =	simm.s32 @!p1 $0x80;
	s21 =	simm.s32 @!p1 $0x2800;
	[sflag:s12] =	ssyncadd.s32 $0xFFFFE000  }
0x50: {  	[hbm4b:s17+s19] =	stream.strided.scatter @!p1 [tilespmem:s21], [sflag:$0x5], $0x2000, s20, s19, $0x38;
	[tilespmem:$0x12800] =	vst v63  }
0x51: {  	s17 =	simm.s32 @!p1 $0xA800;
	s21 =	sadd.s32 @!p1 $0xFFFFE800, s8  }
0x52: {  	[hbm4b:s21+s19] =	stream.strided.scatter @!p1 [tilespmem:s17], [sflag:$0x5], $0x2000, s20, s19, $0x38;
	[tilespmem:$0x12800] =	vst v63  }
0x53: {  	_ =	swait.ge [sflag:s13], $0x2000  }
0x54: {  	[sflag:s13] =	ssyncset.done $0x0  }
0x55: {  	s30 =	sadd.s32 $0x280, s18;
	[sflag:s13] =	ssyncadd.s32 $0xFFFFE000  }
0x56: {  	p1 =	sgt.u32 s30, $0x270FF;
	_ =	swait.ge [sflag:s13], $0x2000  }
0x57: {  	s17 =	sadd.s32 @!p1 $0xFFFFEFF8, s8;
	s19 =	simm.s32 @!p1 $0x40;
	[sflag:s13] =	ssyncset.done $0x0  }
0x58: {  	s20 =	simm.s32 @!p1 $0x80;
	s21 =	simm.s32 @!p1 $0x4800;
	[sflag:s13] =	ssyncadd.s32 $0xFFFFE000  }
0x59: {  	[hbm4b:s17+s19] =	stream.strided.scatter @!p1 [tilespmem:s21], [sflag:$0x5], $0x2000, s20, s19, $0x38;
	[tilespmem:$0x12800] =	vst v63  }
0x5a: {  	s17 =	sadd.s32 @!p1 $0xFFFFF000, s8;
	s21 =	simm.s32 @!p1 $0xC800  }
0x5b: {  	[hbm4b:s17+s19] =	stream.strided.scatter @!p1 [tilespmem:s21], [sflag:$0x5], $0x2000, s20, s19, $0x38;
	[tilespmem:$0x12800] =	vst v63  }
0x5c: {  	_ =	swait.ge [sflag:s14], $0x2000  }
0x5d: {  	[sflag:s14] =	ssyncset.done $0x0  }
0x5e: {  	s31 =	sadd.s32 $0x300, s18;
	[sflag:s14] =	ssyncadd.s32 $0xFFFFE000  }
0x5f: {  	p1 =	sgt.u32 s31, $0x270FF;
	_ =	swait.ge [sflag:s14], $0x2000  }
0x60: {  	s17 =	sadd.s32 @!p1 $0xFFFFF7F8, s8;
	s19 =	simm.s32 @!p1 $0x6800;
	[sflag:s14] =	ssyncset.done $0x0  }
0x61: {  	s20 =	simm.s32 @!p1 $0x40;
	s21 =	simm.s32 @!p1 $0x80;
	[sflag:s14] =	ssyncadd.s32 $0xFFFFE000  }
0x62: {  	[hbm4b:s17+s20] =	stream.strided.scatter @!p1 [tilespmem:s19], [sflag:$0x5], $0x2000, s21, s20, $0x38;
	[tilespmem:$0x12800] =	vst v63  }
0x63: {  	s17 =	sadd.s32 @!p1 $0xFFFFF800, s8;
	s19 =	simm.s32 @!p1 $0xE800  }
0x64: {  	[hbm4b:s17+s20] =	stream.strided.scatter @!p1 [tilespmem:s19], [sflag:$0x5], $0x2000, s21, s20, $0x38;
	[tilespmem:$0x12800] =	vst v63  }
0x65: {  	s22 =	simm.s32 $0x200;
	_ =	swait.ge [sflag:s15], $0x2000  }
0x66: {  	s20 =	simm.s32 $0x0;
	s19 =	simm.s32 $0x800;
	[sflag:s15] =	ssyncset.done $0x0  }
0x67: {  	s17 =	smov.u32 s8;
	s21 =	smov.u32 s8;
	[sflag:s15] =	ssyncadd.s32 $0xFFFFE000  }
.LBB2_2:
0x68: {  	_ =	swait.ge [sflag:s15], $0x2000  }
0x69: {  	s18 =	sadd.s32 $0x380, s18;
	p2 =	seq.s32 s20, $0xFFFFFE00;
	[sflag:s15] =	ssyncset.done $0x0  }
0x6a: {  	s24 =	rddreg [dreg:$0x3];
	p4 =	sgt.u32 s18, $0x270FF;
	[sflag:s15] =	ssyncadd.s32 $0xFFFFE000  }
0x6b: {  	s18 =	simm.s32 @!p4 $0x8800;
	p3 =	sge.s32 @!p2 s20, s24;
	s24 =	sadd.s32 @!p4 $0xFFFFFFF8, s21  }
0x6c: {  	s25 =	simm.s32 @!p4 $0x40;
	s26 =	simm.s32 @!p4 $0x80;
	p3 =	por p3, p2  }
0x6d: {  	[hbm4b:s24+s25] =	stream.strided.scatter @!p4 [tilespmem:s18], [sflag:$0x5], $0x2000, s26, s25, $0x38;
	[tilespmem:$0x12800] =	vst v63  }
0x6e: {  	s28 =	simm.s32 @!p4 $0x10800;
	s18 =	simm.s32 @!p3 $0x5  }
0x6f: {  	[hbm4b:s21+s25] =	stream.strided.scatter @!p4 [tilespmem:s28], [sflag:$0x5], $0x2000, s26, s25, $0x38;
	[tilespmem:$0x12800] =	vst v63  }
0x70: {  	_ =	swait.ge @!p3 [sflag:s18], $0x2000  }
0x71: {  	[sflag:s18] =	ssyncset.done @!p3 $0x0  }
0x72: {  	[sflag:s18] =	ssyncadd.s32 @!p3 $0xFFFFE000  }
0x73: {  	_ =	swait.ge @!p3 [sflag:s18], $0x2000  }
0x74: {  	[sflag:s18] =	ssyncset.done @!p3 $0x0;
	s29 =	rddreg [dreg:$0x4]  }
0x75: {  	[sflag:s18] =	ssyncadd.s32 @!p3 $0xFFFFE000;
	s18 =	sadd.s32 s20, s29  }
0x76: {  	s25 =	sadd.s32 $0x80, s18  }
0x77: {  	p3 =	sgt.s32 @!p2 s25, $0x270FF  }
0x78: {  	s25 =	sadd.s32 $0x100, s18;
	p4 =	por p3, p2  }
0x79: {  	p3 =	sgt.s32 @!p2 s25, $0x270FF;
	s25 =	simm.s32 @!p4 $0x5  }
0x7a: {  	_ =	swait.ge @!p4 [sflag:s25], $0x2000  }
0x7b: {  	[sflag:s25] =	ssyncset.done @!p4 $0x0  }
0x7c: {  	[sflag:s25] =	ssyncadd.s32 @!p4 $0xFFFFE000  }
0x7d: {  	_ =	swait.ge @!p4 [sflag:s25], $0x2000  }
0x7e: {  	p3 =	por p3, p2;
	[sflag:s25] =	ssyncset.done @!p4 $0x0  }
0x7f: {  	s26 =	simm.s32 @!p3 $0x5;
	[sflag:s25] =	ssyncadd.s32 @!p4 $0xFFFFE000  }
0x80: {  	_ =	swait.ge @!p3 [sflag:s26], $0x2000  }
0x81: {  	[sflag:s26] =	ssyncset.done @!p3 $0x0  }
0x82: {  	s28 =	sadd.s32 $0x180, s18;
	[sflag:s26] =	ssyncadd.s32 @!p3 $0xFFFFE000  }
0x83: {  	p5 =	sgt.s32 @!p2 s28, $0x270FF;
	_ =	swait.ge @!p3 [sflag:s26], $0x2000  }
0x84: {  	p2 =	por p5, p2;
	[sflag:s26] =	ssyncset.done @!p3 $0x0  }
0x85: {  	s25 =	simm.s32 @!p2 $0x5;
	[sflag:s26] =	ssyncadd.s32 @!p3 $0xFFFFE000  }
0x86: {  	_ =	swait.ge @!p2 [sflag:s25], $0x2000  }
0x87: {  	[sflag:s25] =	ssyncset.done @!p2 $0x0  }
0x88: {  	[sflag:s25] =	ssyncadd.s32 @!p2 $0xFFFFE000  }
0x89: {  	_ =	swait.ge @!p2 [sflag:s25], $0x2000  }
0x8a: {  	[sflag:s25] =	ssyncset.done @!p2 $0x0  }
0x8b: {  	s30 =	rddreg [dreg:$0x5];
	[sflag:s25] =	ssyncadd.s32 @!p2 $0xFFFFE000;
	s25 =	sshra.s32 s19, $0x2  }
0x8c: {  	[tilespmem:s30], [sflag:$0x1] =	stream.indirect.gather [hbm4b:s2+s11], $0x40, s25, s11, $0xb8;
	[tilespmem:$0x12800] =	vst v63  }
0x8d: {  	s31 =	rddreg [dreg:$0x6];
	s30 =	sadd.s32 $0x1400, s25  }
0x8e: {  	[tilespmem:s31], [sflag:$0x1] =	stream.indirect.gather [hbm4b:s4+s11], $0x40, s30, s11, $0xb8;
	[tilespmem:$0x12800] =	vst v63  }
0x8f: {  	s29 =	rddreg [dreg:$0x7];
	s31 =	sadd.s32 $0x80, s25  }
0x90: {  	[tilespmem:s29], [sflag:$0x2] =	stream.indirect.gather [hbm4b:s2+s11], $0x40, s31, s11, $0xb8;
	[tilespmem:$0x12800] =	vst v63  }
0x91: {  	s30 =	rddreg [dreg:$0x8];
	s31 =	sadd.s32 $0x1480, s25  }
0x92: {  	[tilespmem:s30], [sflag:$0x2] =	stream.indirect.gather [hbm4b:s4+s11], $0x40, s31, s11, $0xb8;
	[tilespmem:$0x12800] =	vst v63  }
0x93: {  	s29 =	rddreg [dreg:$0x9];
	s30 =	sadd.s32 $0x100, s25  }
0x94: {  	[tilespmem:s29], [sflag:$0x3] =	stream.indirect.gather [hbm4b:s2+s11], $0x40, s30, s11, $0xb8;
	[tilespmem:$0x12800] =	vst v63  }
0x95: {  	s31 =	rddreg [dreg:$0xa];
	s30 =	sadd.s32 $0x1500, s25  }
0x96: {  	[tilespmem:s31], [sflag:$0x3] =	stream.indirect.gather [hbm4b:s4+s11], $0x40, s30, s11, $0xb8;
	[tilespmem:$0x12800] =	vst v63  }
0x97: {  	s29 =	rddreg [dreg:$0xb];
	s31 =	sadd.s32 $0x180, s25  }
0x98: {  	[tilespmem:s29], [sflag:$0x4] =	stream.indirect.gather [hbm4b:s2+s11], $0x40, s31, s11, $0xb8;
	[tilespmem:$0x12800] =	vst v63  }
0x99: {  	s30 =	rddreg [dreg:$0xc];
	s25 =	sadd.s32 $0x1580, s25  }
0x9a: {  	[tilespmem:s30], [sflag:$0x4] =	stream.indirect.gather [hbm4b:s4+s11], $0x40, s25, s11, $0xb8;
	[tilespmem:$0x12800] =	vst v63  }
0x9b: {  	_ =	swait.ge [sflag:s12], $0x2000  }
0x9c: {  	[sflag:s12] =	ssyncset.done $0x0  }
0x9d: {  	s24 =	sadd.s32 $0x200, s18;
	[sflag:s12] =	ssyncadd.s32 $0xFFFFE000  }
0x9e: {  	s17 =	sadd.s32 $0x2000, s17;
	p2 =	sgt.u32 s24, $0x270FF;
	_ =	swait.ge [sflag:s12], $0x2000  }
0x9f: {  	s24 =	sadd.s32 @!p2 $0xFFFFE7F8, s17;
	s26 =	simm.s32 @!p2 $0x40;
	[sflag:s12] =	ssyncset.done $0x0  }
0xa0: {  	s28 =	simm.s32 @!p2 $0x80;
	s29 =	simm.s32 @!p2 $0x2800;
	[sflag:s12] =	ssyncadd.s32 $0xFFFFE000  }
0xa1: {  	[hbm4b:s24+s26] =	stream.strided.scatter @!p2 [tilespmem:s29], [sflag:$0x5], $0x2000, s28, s26, $0x38;
	[tilespmem:$0x12800] =	vst v63  }
0xa2: {  	s25 =	simm.s32 @!p2 $0xA800;
	s24 =	sadd.s32 @!p2 $0xFFFFE800, s17  }
0xa3: {  	[hbm4b:s24+s26] =	stream.strided.scatter @!p2 [tilespmem:s25], [sflag:$0x5], $0x2000, s28, s26, $0x38;
	[tilespmem:$0x12800] =	vst v63  }
0xa4: {  	_ =	swait.ge [sflag:s13], $0x2000  }
0xa5: {  	s23 =	smov.u32 s22;
	[sflag:s13] =	ssyncset.done $0x0  }
0xa6: {  	s20 =	smov.u32 s23;
	s23 =	sadd.s32 $0x280, s18;
	[sflag:s13] =	ssyncadd.s32 $0xFFFFE000  }
0xa7: {  	p3 =	sgt.u32 s23, $0x270FF;
	_ =	swait.ge [sflag:s13], $0x2000  }
0xa8: {  	s23 =	sadd.s32 @!p3 $0xFFFFEFF8, s17;
	s25 =	simm.s32 @!p3 $0x40;
	[sflag:s13] =	ssyncset.done $0x0  }
0xa9: {  	s26 =	simm.s32 @!p3 $0x80;
	s28 =	simm.s32 @!p3 $0x4800;
	[sflag:s13] =	ssyncadd.s32 $0xFFFFE000  }
0xaa: {  	[hbm4b:s23+s25] =	stream.strided.scatter @!p3 [tilespmem:s28], [sflag:$0x5], $0x2000, s26, s25, $0x38;
	[tilespmem:$0x12800] =	vst v63  }
0xab: {  	s24 =	sadd.s32 @!p3 $0xFFFFF000, s17;
	s23 =	simm.s32 @!p3 $0xC800  }
0xac: {  	[hbm4b:s24+s25] =	stream.strided.scatter @!p3 [tilespmem:s23], [sflag:$0x5], $0x2000, s26, s25, $0x38;
	[tilespmem:$0x12800] =	vst v63  }
0xad: {  	_ =	swait.ge [sflag:s14], $0x2000  }
0xae: {  	[sflag:s14] =	ssyncset.done $0x0  }
0xaf: {  	s22 =	sadd.s32 $0x200, s22;
	s31 =	sadd.s32 $0x300, s18;
	[sflag:s14] =	ssyncadd.s32 $0xFFFFE000  }
0xb0: {  	p1 =	sne.s32 s22, $0x1200;
	p2 =	sgt.u32 s31, $0x270FF;
	_ =	swait.ge [sflag:s14], $0x2000  }
0xb1: {  	s23 =	sadd.s32 @!p2 $0xFFFFF7F8, s17;
	s24 =	simm.s32 @!p2 $0x6800;
	[sflag:s14] =	ssyncset.done $0x0  }
0xb2: {  	s25 =	simm.s32 @!p2 $0x40;
	s26 =	simm.s32 @!p2 $0x80;
	[sflag:s14] =	ssyncadd.s32 $0xFFFFE000  }
0xb3: {  	[hbm4b:s23+s25] =	stream.strided.scatter @!p2 [tilespmem:s24], [sflag:$0x5], $0x2000, s26, s25, $0x38;
	[tilespmem:$0x12800] =	vst v63  }
.Ltmp0:
0xb4: {  	s28 =	sadd.s32 @!p2 $0xFFFFF800, s17;
	s23 =	simm.s32 @!p2 $0xE800;
	(pc) =	sbr.rel @p1 .LBB2_2-.Ltmp0, $4  }
0xb5: {  	[hbm4b:s28+s25] =	stream.strided.scatter @!p2 [tilespmem:s23], [sflag:$0x5], $0x2000, s26, s25, $0x38;
	[tilespmem:$0x12800] =	vst v63  }
0xb6: {  	_ =	swait.ge [sflag:s15], $0x2000  }
0xb7: {  	[sflag:s15] =	ssyncset.done $0x0  }
0xb8: {  	s21 =	smov.u32 s17;
	s19 =	sadd.s32 $0x800, s19;
	[sflag:s15] =	ssyncadd.s32 $0xFFFFE000  }
0xb9: {  	_ =	swait.ge [sflag:s15], $0x2000  }
0xba: {  	s18 =	sadd.s32 $0x380, s18;
	p1 =	seq.s32 s20, $0xFFFFFE00;
	[sflag:s15] =	ssyncset.done $0x0  }
0xbb: {  	s22 =	rddreg [dreg:$0x3];
	p3 =	sgt.u32 s18, $0x270FF;
	[sflag:s15] =	ssyncadd.s32 $0xFFFFE000  }
0xbc: {  	s18 =	simm.s32 @!p3 $0x8800;
	p2 =	sge.s32 @!p1 s20, s22;
	s22 =	sadd.s32 @!p3 $0xFFFFFFF8, s21  }
0xbd: {  	s23 =	simm.s32 @!p3 $0x40;
	s24 =	simm.s32 @!p3 $0x80;
	p2 =	por p2, p1  }
0xbe: {  	[hbm4b:s22+s23] =	stream.strided.scatter @!p3 [tilespmem:s18], [sflag:$0x5], $0x2000, s24, s23, $0x38;
	[tilespmem:$0x12800] =	vst v63  }
0xbf: {  	s18 =	simm.s32 @!p3 $0x10800;
	s22 =	simm.s32 @!p2 $0x5  }
0xc0: {  	[hbm4b:s21+s23] =	stream.strided.scatter @!p3 [tilespmem:s18], [sflag:$0x5], $0x2000, s24, s23, $0x38;
	[tilespmem:$0x12800] =	vst v63  }
0xc1: {  	_ =	swait.ge @!p2 [sflag:s22], $0x2000  }
0xc2: {  	[sflag:s22] =	ssyncset.done @!p2 $0x0  }
0xc3: {  	[sflag:s22] =	ssyncadd.s32 @!p2 $0xFFFFE000  }
0xc4: {  	_ =	swait.ge @!p2 [sflag:s22], $0x2000  }
0xc5: {  	s21 =	rddreg [dreg:$0x4]  }
0xc6: {  	s18 =	sadd.s32 s20, s21  }
0xc7: {  	s20 =	sadd.s32 $0x80, s18  }
0xc8: {  	p3 =	sgt.s32 @!p1 s20, $0x270FF  }
0xc9: {  	[sflag:s22] =	ssyncset.done @!p2 $0x0;
	p3 =	por p3, p1  }
0xca: {  	[sflag:s22] =	ssyncadd.s32 @!p2 $0xFFFFE000;
	s20 =	simm.s32 @!p3 $0x5  }
0xcb: {  	_ =	swait.ge @!p3 [sflag:s20], $0x2000  }
0xcc: {  	[sflag:s20] =	ssyncset.done @!p3 $0x0  }
0xcd: {  	s21 =	sadd.s32 $0x100, s18;
	[sflag:s20] =	ssyncadd.s32 @!p3 $0xFFFFE000  }
0xce: {  	p2 =	sgt.s32 @!p1 s21, $0x270FF;
	_ =	swait.ge @!p3 [sflag:s20], $0x2000  }
0xcf: {  	p2 =	por p2, p1;
	[sflag:s20] =	ssyncset.done @!p3 $0x0  }
0xd0: {  	s21 =	simm.s32 @!p2 $0x5;
	[sflag:s20] =	ssyncadd.s32 @!p3 $0xFFFFE000  }
0xd1: {  	_ =	swait.ge @!p2 [sflag:s21], $0x2000  }
0xd2: {  	[sflag:s21] =	ssyncset.done @!p2 $0x0  }
0xd3: {  	s20 =	sadd.s32 $0x180, s18;
	[sflag:s21] =	ssyncadd.s32 @!p2 $0xFFFFE000  }
0xd4: {  	p3 =	sgt.s32 @!p1 s20, $0x270FF;
	_ =	swait.ge @!p2 [sflag:s21], $0x2000  }
0xd5: {  	p1 =	por p3, p1;
	[sflag:s21] =	ssyncset.done @!p2 $0x0  }
0xd6: {  	s20 =	simm.s32 @!p1 $0x5;
	[sflag:s21] =	ssyncadd.s32 @!p2 $0xFFFFE000  }
0xd7: {  	_ =	swait.ge @!p1 [sflag:s20], $0x2000  }
0xd8: {  	[sflag:s20] =	ssyncset.done @!p1 $0x0  }
0xd9: {  	[sflag:s20] =	ssyncadd.s32 @!p1 $0xFFFFE000  }
0xda: {  	_ =	swait.ge @!p1 [sflag:s20], $0x2000  }
0xdb: {  	[sflag:s20] =	ssyncset.done @!p1 $0x0  }
0xdc: {  	s19 =	sshra.s32 s19, $0x2;
	s23 =	rddreg [dreg:$0x5];
	[sflag:s20] =	ssyncadd.s32 @!p1 $0xFFFFE000  }
0xdd: {  	[tilespmem:s23], [sflag:$0x1] =	stream.indirect.gather [hbm4b:s2+s11], $0x40, s19, s11, $0xb8;
	[tilespmem:$0x12800] =	vst v63  }
0xde: {  	s25 =	sadd.s32 $0x1400, s19;
	s24 =	rddreg [dreg:$0x6]  }
0xdf: {  	[tilespmem:s24], [sflag:$0x1] =	stream.indirect.gather [hbm4b:s4+s11], $0x40, s25, s11, $0xb8;
	[tilespmem:$0x12800] =	vst v63  }
0xe0: {  	s28 =	sadd.s32 $0x80, s19;
	s26 =	rddreg [dreg:$0x7]  }
0xe1: {  	[tilespmem:s26], [sflag:$0x2] =	stream.indirect.gather [hbm4b:s2+s11], $0x40, s28, s11, $0xb8;
	[tilespmem:$0x12800] =	vst v63  }
0xe2: {  	s30 =	sadd.s32 $0x1480, s19;
	s29 =	rddreg [dreg:$0x8]  }
0xe3: {  	[tilespmem:s29], [sflag:$0x2] =	stream.indirect.gather [hbm4b:s4+s11], $0x40, s30, s11, $0xb8;
	[tilespmem:$0x12800] =	vst v63  }
0xe4: {  	s21 =	sadd.s32 $0x100, s19;
	s31 =	rddreg [dreg:$0x9]  }
0xe5: {  	[tilespmem:s31], [sflag:$0x3] =	stream.indirect.gather [hbm4b:s2+s11], $0x40, s21, s11, $0xb8;
	[tilespmem:$0x12800] =	vst v63  }
0xe6: {  	s23 =	rddreg [dreg:$0xa];
	s24 =	sadd.s32 $0x1500, s19  }
0xe7: {  	[tilespmem:s23], [sflag:$0x3] =	stream.indirect.gather [hbm4b:s4+s11], $0x40, s24, s11, $0xb8;
	[tilespmem:$0x12800] =	vst v63  }
0xe8: {  	s25 =	rddreg [dreg:$0xb];
	s26 =	sadd.s32 $0x180, s19  }
0xe9: {  	[tilespmem:s25], [sflag:$0x4] =	stream.indirect.gather [hbm4b:s2+s11], $0x40, s26, s11, $0xb8;
	[tilespmem:$0x12800] =	vst v63  }
0xea: {  	s28 =	rddreg [dreg:$0xc];
	s19 =	sadd.s32 $0x1580, s19  }
0xeb: {  	[tilespmem:s28], [sflag:$0x4] =	stream.indirect.gather [hbm4b:s4+s11], $0x40, s19, s11, $0xb8;
	[tilespmem:$0x12800] =	vst v63  }
0xec: {  	_ =	swait.ge [sflag:s12], $0x2000  }
0xed: {  	[sflag:s12] =	ssyncset.done $0x0  }
0xee: {  	s29 =	sadd.s32 $0x200, s18;
	[sflag:s12] =	ssyncadd.s32 $0xFFFFE000  }
0xef: {  	s17 =	sadd.s32 $0x2000, s17;
	p1 =	sgt.u32 s29, $0x270FF;
	_ =	swait.ge [sflag:s12], $0x2000  }
0xf0: {  	s20 =	simm.s32 @!p1 $0x40;
	s21 =	simm.s32 @!p1 $0x80;
	[sflag:s12] =	ssyncset.done $0x0  }
0xf1: {  	s22 =	simm.s32 @!p1 $0x2800;
	s19 =	sadd.s32 @!p1 $0xFFFFE7F8, s17;
	[sflag:s12] =	ssyncadd.s32 $0xFFFFE000  }
0xf2: {  	[hbm4b:s19+s20] =	stream.strided.scatter @!p1 [tilespmem:s22], [sflag:$0x5], $0x2000, s21, s20, $0x38;
	[tilespmem:$0x12800] =	vst v63  }
0xf3: {  	s19 =	simm.s32 @!p1 $0xA800;
	s22 =	sadd.s32 @!p1 $0xFFFFE800, s17  }
0xf4: {  	[hbm4b:s22+s20] =	stream.strided.scatter @!p1 [tilespmem:s19], [sflag:$0x5], $0x2000, s21, s20, $0x38;
	[tilespmem:$0x12800] =	vst v63  }
0xf5: {  	_ =	swait.ge [sflag:s13], $0x2000  }
0xf6: {  	[sflag:s13] =	ssyncset.done $0x0  }
0xf7: {  	s30 =	sadd.s32 $0x280, s18;
	[sflag:s13] =	ssyncadd.s32 $0xFFFFE000  }
0xf8: {  	p1 =	sgt.u32 s30, $0x270FF;
	_ =	swait.ge [sflag:s13], $0x2000  }
0xf9: {  	s19 =	sadd.s32 @!p1 $0xFFFFEFF8, s17;
	s20 =	simm.s32 @!p1 $0x40;
	[sflag:s13] =	ssyncset.done $0x0  }
0xfa: {  	s21 =	simm.s32 @!p1 $0x80;
	s22 =	simm.s32 @!p1 $0x4800;
	[sflag:s13] =	ssyncadd.s32 $0xFFFFE000  }
0xfb: {  	[hbm4b:s19+s20] =	stream.strided.scatter @!p1 [tilespmem:s22], [sflag:$0x5], $0x2000, s21, s20, $0x38;
	[tilespmem:$0x12800] =	vst v63  }
0xfc: {  	s19 =	sadd.s32 @!p1 $0xFFFFF000, s17;
	s22 =	simm.s32 @!p1 $0xC800  }
0xfd: {  	[hbm4b:s19+s20] =	stream.strided.scatter @!p1 [tilespmem:s22], [sflag:$0x5], $0x2000, s21, s20, $0x38;
	[tilespmem:$0x12800] =	vst v63  }
0xfe: {  	_ =	swait.ge [sflag:s14], $0x2000  }
0xff: {  	[sflag:s14] =	ssyncset.done $0x0  }
0x100: {  	s31 =	sadd.s32 $0x300, s18;
	[sflag:s14] =	ssyncadd.s32 $0xFFFFE000  }
0x101: {  	p1 =	sgt.u32 s31, $0x270FF;
	_ =	swait.ge [sflag:s14], $0x2000  }
0x102: {  	s19 =	sadd.s32 @!p1 $0xFFFFF7F8, s17;
	s20 =	simm.s32 @!p1 $0x6800;
	[sflag:s14] =	ssyncset.done $0x0  }
0x103: {  	s21 =	simm.s32 @!p1 $0x40;
	s22 =	simm.s32 @!p1 $0x80;
	[sflag:s14] =	ssyncadd.s32 $0xFFFFE000  }
0x104: {  	[hbm4b:s19+s21] =	stream.strided.scatter @!p1 [tilespmem:s20], [sflag:$0x5], $0x2000, s22, s21, $0x38;
	[tilespmem:$0x12800] =	vst v63  }
0x105: {  	s19 =	sadd.s32 @!p1 $0xFFFFF800, s17;
	s20 =	simm.s32 @!p1 $0xE800  }
0x106: {  	[hbm4b:s19+s21] =	stream.strided.scatter @!p1 [tilespmem:s20], [sflag:$0x5], $0x2000, s22, s21, $0x38;
	[tilespmem:$0x12800] =	vst v63  }
0x107: {  	_ =	swait.ge [sflag:s15], $0x2000  }
0x108: {  	[sflag:s15] =	ssyncset.done $0x0  }
0x109: {  	s18 =	sadd.s32 $0x380, s18;
	[sflag:s15] =	ssyncadd.s32 $0xFFFFE000  }
0x10a: {  	p1 =	sgt.u32 s18, $0x270FF;
	_ =	swait.ge [sflag:s15], $0x2000  }
0x10b: {  	s18 =	simm.s32 @!p1 $0x8800;
	s19 =	sadd.s32 @!p1 $0xFFFFFFF8, s17;
	[sflag:s15] =	ssyncset.done $0x0  }
0x10c: {  	s20 =	simm.s32 @!p1 $0x40;
	s21 =	simm.s32 @!p1 $0x80;
	[sflag:s15] =	ssyncadd.s32 $0xFFFFE000  }
0x10d: {  	[hbm4b:s19+s20] =	stream.strided.scatter @!p1 [tilespmem:s18], [sflag:$0x5], $0x2000, s21, s20, $0x38;
	[tilespmem:$0x12800] =	vst v63  }
0x10e: {  	s18 =	simm.s32 @!p1 $0x10800  }
0x10f: {  	[hbm4b:s17+s20] =	stream.strided.scatter @!p1 [tilespmem:s18], [sflag:$0x5], $0x2000, s21, s20, $0x38;
	[tilespmem:$0x12800] =	vst v63  }
0x110: {  	s17 =	simm.s32 @!p0 $0x5  }
0x111: {  	_ =	swait.ge @!p0 [sflag:s17], $0x2000  }
0x112: {  	[sflag:s17] =	ssyncset.done @!p0 $0x0  }
0x113: {  	[sflag:s17] =	ssyncadd.s32 @!p0 $0xFFFFE000  }
0x114: {  	_ =	swait.ge @!p0 [sflag:s17], $0x2000  }
0x115: {  	[sflag:s17] =	ssyncset.done @!p0 $0x0  }
0x116: {  	[sflag:s17] =	ssyncadd.s32 @!p0 $0xFFFFE000  }
0x117: {  	_ =	swait.ge @!p0 [sflag:s17], $0x2000  }
0x118: {  	[sflag:s17] =	ssyncset.done @!p0 $0x0  }
0x119: {  	[sflag:s17] =	ssyncadd.s32 @!p0 $0xFFFFE000  }
0x11a: {  	_ =	swait.ge @!p0 [sflag:s17], $0x2000  }
0x11b: {  	[sflag:s17] =	ssyncset.done @!p0 $0x0  }
0x11c: {  	[sflag:s17] =	ssyncadd.s32 @!p0 $0xFFFFE000  }
0x11d: {  	_ =	swait.ge @!p0 [sflag:s17], $0x2000  }
0x11e: {  	[sflag:s17] =	ssyncset.done @!p0 $0x0  }
0x11f: {  	[sflag:s17] =	ssyncadd.s32 @!p0 $0xFFFFE000  }
0x120: {  	_ =	swait.ge @!p0 [sflag:s17], $0x2000  }
0x121: {  	[sflag:s17] =	ssyncset.done @!p0 $0x0  }
0x122: {  	s16 =	sadd.s32 $0x1, s16;
	[sflag:s17] =	ssyncadd.s32 @!p0 $0xFFFFE000  }
0x123: {  	p1 =	sne.s32 s16, s7;
	_ =	swait.ge @!p0 [sflag:s17], $0x2000  }
.Ltmp1:
0x124: {  	[sflag:s17] =	ssyncset.done @!p0 $0x0;
	(pc) =	sbr.rel @p1 .LBB2_1-.Ltmp1, $4  }
0x125: {  	[sflag:s17] =	ssyncadd.s32 @!p0 $0xFFFFE000  }
0x126: {  	_ =	swait.ge @!p0 [sflag:s17], $0x2000  }
0x127: {  	[sflag:s17] =	ssyncset.done @!p0 $0x0  }
0x128: {  	[sflag:s17] =	ssyncadd.s32 @!p0 $0xFFFFE000  }
0x129: {  	_ =	sfence.sel $0x180000  }
0x12a: {  	[bflag:$0x0] =	sbarrier.arrive $0xFFFF  }
0x12b: {  	p0 =	sne.s32 s0, $0x0;
	_ =	strace $0x90000047  }
0x12c: {  	s0 =	sadd.s32 @!p0 $0x100000, s1;
	[bflag:$0x2] =	sbarrier.arrive $0xFFFF  }
0x12d: {  	[sflag:s0] =	ssyncadd.tile.s32 @!p0 $0x1;
	_ =	shalt  }
.Lfunc_end2:
_tile_overlayer_lowered:
.L_overlay_start_2:
0x12e: {  	(tag) =	ssettag $0x2  }
0x12f: {  	s0 =	rddreg [dreg:$0x0];
	s2 =	stileid.u32  }
0x130: {  	s1 =	rddreg [dreg:$0x1];
	p0 =	sne.s32 s2, $0x0  }
0x131: {  	s3 =	rddreg [dreg:$0x2];
	[bflag:$0x3] =	sbarrier.arrive $0xFFFF;
	s2 =	simm.s32 @!p0 $0x1C06  }
0x132: {  	[timem:s3], [sflag:s2] =	dma.local @!p0 [hbm:s0], s1  }
0x133: {  	s0 =	simm.s32 @!p0 $0x6  }
0x134: {  	_ =	swait.ge @!p0 [sflag:s0], s1  }
0x135: {  	s1 =	ssub.s32 @!p0 $0x0, s1;
	[sflag:s0] =	ssyncset.done @!p0 $0x0  }
0x136: {  	[sflag:s0] =	ssyncadd.s32 @!p0 s1  }
0x137: {  	[bflag:$0x3] =	sbarrier.arrive $0xFFFF  }
0x138: {  	_ =	shalt  }

</sc_bundles>
